<compile_context>
chip_gen: v7x
topology: tpu7x:2x2x1
jax: 0.10.2.dev20260603
libtpu: 0.0.44.dev20260713+nightly
codegen_flags: <defaults>
</compile_context>

<pallas_src>
import functools

import jax
import jax.numpy as jnp
from jax import lax
from jax.experimental import pallas as pl
from jax.experimental.pallas import tpu as pltpu
from jax.experimental.pallas import tpu_sc as plsc

_MOVE_PROB = 0.12
_NC, _NS = 2, 16
_NW = _NC * _NS


def _make_sc_gather(BT, C):
    RW = BT // _NW
    CH = 16
    NBUF = 8
    AHD = 4
    NCH = RW // CH

    mesh = plsc.VectorSubcoreMesh(core_axis_name="c", subcore_axis_name="s")

    @functools.partial(
        pl.kernel,
        mesh=mesh,
        out_type=jax.ShapeDtypeStruct((BT, C), jnp.float32),
        scratch_types=(
            [pltpu.VMEM((RW,), jnp.int32)]
            + [pltpu.VMEM((CH, C), jnp.float32)] * NBUF
            + [pltpu.SemaphoreType.DMA] * NBUF
            + [pltpu.SemaphoreType.DMA] * NBUF
        ),
    )
    def k(x_hbm, idx_hbm, out_hbm, idx_v, *bufsem):
        bufs = bufsem[:NBUF]
        gsem = bufsem[NBUF:2 * NBUF]
        ssem = bufsem[2 * NBUF:]
        wid = lax.axis_index("s") * _NC + lax.axis_index("c")
        base = wid * RW
        pltpu.sync_copy(idx_hbm.at[pl.ds(base, RW)], idx_v)

        def start_g(c, b):
            pltpu.async_copy(
                x_hbm.at[idx_v.at[pl.ds(c * CH, CH)]], bufs[b], gsem[b])

        def wait_g(c, b):
            pltpu.make_async_copy(
                x_hbm.at[idx_v.at[pl.ds(c * CH, CH)]], bufs[b], gsem[b]).wait()

        def start_s(c, b):
            pltpu.async_copy(
                bufs[b], out_hbm.at[pl.ds(base + c * CH, CH)], ssem[b])

        def wait_s(c, b):
            pltpu.make_async_copy(
                bufs[b], out_hbm.at[pl.ds(base + c * CH, CH)], ssem[b]).wait()

        for c in range(AHD):
            start_g(c, c)

        def step(c, b, first, last):
            wait_g(c, b)
            start_s(c, b)
            if not last:
                bn = (b + AHD) % NBUF
                if not first:
                    wait_s(c + AHD - NBUF, bn)
                start_g(c + AHD, bn)

        for c in range(NBUF - AHD):
            step(c, c, True, False)

        def body(jj, carry):
            c0 = NBUF * jj + (NBUF - AHD)
            for b in range(NBUF):
                step(c0 + b, (NBUF - AHD + b) % NBUF, False, False)
            return carry

        lax.fori_loop(0, (NCH - NBUF) // NBUF, body, 0)
        for c in range(NCH - AHD, NCH):
            step(c, c % NBUF, False, True)
        for c in range(NCH - NBUF, NCH):
            wait_s(c, c % NBUF)

    return k


def kernel(x, training):
    B, T, C = x.shape
    BT = B * T
    xf = x.reshape(BT, C)

    logp = jnp.log(jnp.array(
        [_MOVE_PROB / 2.0, 1.0 - _MOVE_PROB, _MOVE_PROB / 2.0],
        dtype=jnp.float32))
    step = jax.random.categorical(
        jax.random.key(42), logp, shape=(BT,)).astype(jnp.int32) - 1
    iota = jnp.arange(BT, dtype=jnp.int32)
    idx = iota + step
    idx = idx + 2 * (idx < 0).astype(jnp.int32)
    idx = idx - 2 * (idx >= BT).astype(jnp.int32)
    idx = jnp.where(training != 0, idx, iota)
    out = _make_sc_gather(BT, C)(xf, idx)
    return out.reshape(B, T, C)

# --- scband reference (transcript-rebuilt; emitter-appended) ---
"""Pipeline reference for scband-jitter-28054726377849 (READ-ONLY COPY).

The authoritative reference and input builder live on the scoring server;
editing this copy changes nothing except your own understanding.
"""

import jax, jax.numpy as jnp
import numpy as np

MOVE_PROB = 0.12


def setup_inputs(seed: int = 0) -> dict:
    key = jax.random.key(seed)
    x = jax.random.normal(jax.random.fold_in(key, 0), (4, 8192, 768), dtype=jnp.float32)
    return {"x": x, "training": 1}


def reference(x, training):
    # Faithful translation of Jitter.call: at time t, randomly use sample at
    # t-1, t, or t+1 (with wrap-reflect at the flattened boundaries), via gather.
    if MOVE_PROB == 0.0:
        return x
    B, T, C = x.shape
    xf = x.reshape(-1, C)
    BT = xf.shape[0]
    prob = jnp.array([MOVE_PROB / 2.0, 1.0 - MOVE_PROB, MOVE_PROB / 2.0], dtype=jnp.float32)
    rk = jax.random.key(42)
    # tf.random.categorical over logits == log-probs
    move_step = jax.random.categorical(rk, jnp.log(prob), shape=(BT,)).astype(jnp.int32) - 1
    indices = jnp.arange(BT, dtype=jnp.int32) + move_step
    indices = indices + 2 * (indices < 0).astype(jnp.int32)
    indices = indices - 2 * (indices >= BT).astype(jnp.int32)
    out = jnp.take(xf, indices, axis=0)
    return jnp.where(training != 0, out.reshape(B, T, C), x)

if __name__ == "__main__":
    import jax
    _d = setup_inputs()
    print(jax.jit(kernel)(*tuple(_d.values())))

</pallas_src>

<mosaic_0001>
#map = affine_map<(d0, d1) -> (0, 0)>
#map1 = affine_map<(d0, d1) -> (0)>
module attributes {stable_mosaic.version = 14 : i64} {
  func.func @k(%arg0: i32, %arg1: i32, %arg2: memref<32768x768xf32, #tpu.memory_space<hbm>>, %arg3: memref<32768xi32, #tpu.memory_space<hbm>>, %arg4: memref<32768x768xf32, #tpu.memory_space<hbm>>, %arg5: memref<1024xi32, #tpu.memory_space<vmem>>, %arg6: memref<16x768xf32, #tpu.memory_space<vmem>>, %arg7: memref<16x768xf32, #tpu.memory_space<vmem>>, %arg8: memref<16x768xf32, #tpu.memory_space<vmem>>, %arg9: memref<16x768xf32, #tpu.memory_space<vmem>>, %arg10: memref<16x768xf32, #tpu.memory_space<vmem>>, %arg11: memref<16x768xf32, #tpu.memory_space<vmem>>, %arg12: memref<16x768xf32, #tpu.memory_space<vmem>>, %arg13: memref<16x768xf32, #tpu.memory_space<vmem>>, %arg14: memref<!tpu.dma_semaphore, #tpu.memory_space<semaphore_mem>>, %arg15: memref<!tpu.dma_semaphore, #tpu.memory_space<semaphore_mem>>, %arg16: memref<!tpu.dma_semaphore, #tpu.memory_space<semaphore_mem>>, %arg17: memref<!tpu.dma_semaphore, #tpu.memory_space<semaphore_mem>>, %arg18: memref<!tpu.dma_semaphore, #tpu.memory_space<semaphore_mem>>, %arg19: memref<!tpu.dma_semaphore, #tpu.memory_space<semaphore_mem>>, %arg20: memref<!tpu.dma_semaphore, #tpu.memory_space<semaphore_mem>>, %arg21: memref<!tpu.dma_semaphore, #tpu.memory_space<semaphore_mem>>, %arg22: memref<!tpu.dma_semaphore, #tpu.memory_space<semaphore_mem>>, %arg23: memref<!tpu.dma_semaphore, #tpu.memory_space<semaphore_mem>>, %arg24: memref<!tpu.dma_semaphore, #tpu.memory_space<semaphore_mem>>, %arg25: memref<!tpu.dma_semaphore, #tpu.memory_space<semaphore_mem>>, %arg26: memref<!tpu.dma_semaphore, #tpu.memory_space<semaphore_mem>>, %arg27: memref<!tpu.dma_semaphore, #tpu.memory_space<semaphore_mem>>, %arg28: memref<!tpu.dma_semaphore, #tpu.memory_space<semaphore_mem>>, %arg29: memref<!tpu.dma_semaphore, #tpu.memory_space<semaphore_mem>>) attributes {dimension_semantics = [#tpu.dimension_semantics<core_parallel>, #tpu.dimension_semantics<subcore_parallel>], iteration_bounds = array<i64: 2, 16>, scalar_prefetch = 0 : i64, scratch_operands = 25 : i64, tpu.core_type = #tpu.core_type<sc_vector_subcore>, window_params = [{transform_indices = #map}, {transform_indices = #map1}, {transform_indices = #map}]} {
    %mul3A = arith.constant 2 : i32
    %mul3A_0 = arith.muli %arg1, %mul3A : i32
    %add3A = arith.addi %mul3A_0, %arg0 : i32
    %mul3A_1 = arith.constant 1024 : i32
    %mul3A_2 = arith.muli %add3A, %mul3A_1 : i32
    "tpu.region"() ({
      %run_scoped3A = tpu.sem_alloc : memref<!tpu.dma_semaphore, #tpu.memory_space<semaphore_mem>>
      %dma_start3A_182 = tpu.memref_slice %arg3[%mul3A_2] : memref<32768xi32, #tpu.memory_space<hbm>> -> memref<1024xi32, #tpu.memory_space<hbm>>
      %dma_start3A_183 = tpu.memref_slice %arg3[%mul3A_2] : memref<32768xi32, #tpu.memory_space<hbm>> -> memref<1024xi32, #tpu.memory_space<hbm>>
      tpu.enqueue_dma source(%dma_start3A_183 : memref<1024xi32, #tpu.memory_space<hbm>>) target(%arg5 : memref<1024xi32, #tpu.memory_space<vmem>>) target_semaphore(%run_scoped3A : memref<!tpu.dma_semaphore, #tpu.memory_space<semaphore_mem>>)
      %dma_wait3A_184 = tpu.memref_slice %arg3[%mul3A_2] : memref<32768xi32, #tpu.memory_space<hbm>> -> memref<1024xi32, #tpu.memory_space<hbm>>
      %dma_wait3A_185 = tpu.memref_slice %arg3[%mul3A_2] : memref<32768xi32, #tpu.memory_space<hbm>> -> memref<1024xi32, #tpu.memory_space<hbm>>
      tpu.wait_dma2 semaphore(%run_scoped3A : memref<!tpu.dma_semaphore, #tpu.memory_space<semaphore_mem>>) src(%dma_wait3A_185 : memref<1024xi32, #tpu.memory_space<hbm>>) dst(%arg5 : memref<1024xi32, #tpu.memory_space<vmem>>)
      tpu.yield
    }) : () -> ()
    %dma_start3A = arith.constant 0 : i32
    %dma_start3A_3 = tpu.memref_slice %arg5[%dma_start3A] : memref<1024xi32, #tpu.memory_space<vmem>> -> memref<16xi32, #tpu.memory_space<vmem>>
    %dma_start3A_4 = arith.constant 0 : i32
    %dma_start3A_5 = arith.constant 0 : i32
    %dma_start3A_6 = tpu.memref_slice %arg2[%dma_start3A_4, %dma_start3A_5] : memref<32768x768xf32, #tpu.memory_space<hbm>> -> memref<32768x768xf32, #tpu.memory_space<hbm>>
    tpu.enqueue_indirect_dma source(%dma_start3A_6 : memref<32768x768xf32, #tpu.memory_space<hbm>>) target(%arg6 : memref<16x768xf32, #tpu.memory_space<vmem>>) offsets(%dma_start3A_3 : memref<16xi32, #tpu.memory_space<vmem>>) semaphore(%arg14 : memref<!tpu.dma_semaphore, #tpu.memory_space<semaphore_mem>>)
    %dma_start3A_7 = arith.constant 16 : i32
    %dma_start3A_8 = tpu.memref_slice %arg5[%dma_start3A_7] : memref<1024xi32, #tpu.memory_space<vmem>> -> memref<16xi32, #tpu.memory_space<vmem>>
    %dma_start3A_9 = arith.constant 0 : i32
    %dma_start3A_10 = arith.constant 0 : i32
    %dma_start3A_11 = tpu.memref_slice %arg2[%dma_start3A_9, %dma_start3A_10] : memref<32768x768xf32, #tpu.memory_space<hbm>> -> memref<32768x768xf32, #tpu.memory_space<hbm>>
    tpu.enqueue_indirect_dma source(%dma_start3A_11 : memref<32768x768xf32, #tpu.memory_space<hbm>>) target(%arg7 : memref<16x768xf32, #tpu.memory_space<vmem>>) offsets(%dma_start3A_8 : memref<16xi32, #tpu.memory_space<vmem>>) semaphore(%arg15 : memref<!tpu.dma_semaphore, #tpu.memory_space<semaphore_mem>>)
    %dma_start3A_12 = arith.constant 32 : i32
    %dma_start3A_13 = tpu.memref_slice %arg5[%dma_start3A_12] : memref<1024xi32, #tpu.memory_space<vmem>> -> memref<16xi32, #tpu.memory_space<vmem>>
    %dma_start3A_14 = arith.constant 0 : i32
    %dma_start3A_15 = arith.constant 0 : i32
    %dma_start3A_16 = tpu.memref_slice %arg2[%dma_start3A_14, %dma_start3A_15] : memref<32768x768xf32, #tpu.memory_space<hbm>> -> memref<32768x768xf32, #tpu.memory_space<hbm>>
    tpu.enqueue_indirect_dma source(%dma_start3A_16 : memref<32768x768xf32, #tpu.memory_space<hbm>>) target(%arg8 : memref<16x768xf32, #tpu.memory_space<vmem>>) offsets(%dma_start3A_13 : memref<16xi32, #tpu.memory_space<vmem>>) semaphore(%arg16 : memref<!tpu.dma_semaphore, #tpu.memory_space<semaphore_mem>>)
    %dma_start3A_17 = arith.constant 48 : i32
    %dma_start3A_18 = tpu.memref_slice %arg5[%dma_start3A_17] : memref<1024xi32, #tpu.memory_space<vmem>> -> memref<16xi32, #tpu.memory_space<vmem>>
    %dma_start3A_19 = arith.constant 0 : i32
    %dma_start3A_20 = arith.constant 0 : i32
    %dma_start3A_21 = tpu.memref_slice %arg2[%dma_start3A_19, %dma_start3A_20] : memref<32768x768xf32, #tpu.memory_space<hbm>> -> memref<32768x768xf32, #tpu.memory_space<hbm>>
    tpu.enqueue_indirect_dma source(%dma_start3A_21 : memref<32768x768xf32, #tpu.memory_space<hbm>>) target(%arg9 : memref<16x768xf32, #tpu.memory_space<vmem>>) offsets(%dma_start3A_18 : memref<16xi32, #tpu.memory_space<vmem>>) semaphore(%arg17 : memref<!tpu.dma_semaphore, #tpu.memory_space<semaphore_mem>>)
    %dma_wait3A = arith.constant 0 : i32
    %dma_wait3A_22 = tpu.memref_slice %arg5[%dma_wait3A] : memref<1024xi32, #tpu.memory_space<vmem>> -> memref<16xi32, #tpu.memory_space<vmem>>
    %dma_wait3A_23 = arith.constant 0 : i32
    %dma_wait3A_24 = arith.constant 0 : i32
    %dma_wait3A_25 = tpu.memref_slice %arg2[%dma_wait3A_23, %dma_wait3A_24] : memref<32768x768xf32, #tpu.memory_space<hbm>> -> memref<32768x768xf32, #tpu.memory_space<hbm>>
    tpu.wait_indirect_dma semaphore(%arg14 : memref<!tpu.dma_semaphore, #tpu.memory_space<semaphore_mem>>) src(%dma_wait3A_25 : memref<32768x768xf32, #tpu.memory_space<hbm>>) dst(%arg6 : memref<16x768xf32, #tpu.memory_space<vmem>>)
    %add3A_26 = arith.constant 0 : i32
    %add3A_27 = arith.addi %mul3A_2, %add3A_26 : i32
    %dma_start3A_28 = arith.constant 0 : i32
    %dma_start3A_29 = tpu.memref_slice %arg4[%add3A_27, %dma_start3A_28] : memref<32768x768xf32, #tpu.memory_space<hbm>> -> memref<16x768xf32, #tpu.memory_space<hbm>>
    %dma_start3A_30 = arith.constant 0 : i32
    %dma_start3A_31 = tpu.memref_slice %arg4[%add3A_27, %dma_start3A_30] : memref<32768x768xf32, #tpu.memory_space<hbm>> -> memref<16x768xf32, #tpu.memory_space<hbm>>
    tpu.enqueue_dma source(%arg6 : memref<16x768xf32, #tpu.memory_space<vmem>>) target(%dma_start3A_31 : memref<16x768xf32, #tpu.memory_space<hbm>>) target_semaphore(%arg22 : memref<!tpu.dma_semaphore, #tpu.memory_space<semaphore_mem>>)
    %dma_start3A_32 = arith.constant 64 : i32
    %dma_start3A_33 = tpu.memref_slice %arg5[%dma_start3A_32] : memref<1024xi32, #tpu.memory_space<vmem>> -> memref<16xi32, #tpu.memory_space<vmem>>
    %dma_start3A_34 = arith.constant 0 : i32
    %dma_start3A_35 = arith.constant 0 : i32
    %dma_start3A_36 = tpu.memref_slice %arg2[%dma_start3A_34, %dma_start3A_35] : memref<32768x768xf32, #tpu.memory_space<hbm>> -> memref<32768x768xf32, #tpu.memory_space<hbm>>
    tpu.enqueue_indirect_dma source(%dma_start3A_36 : memref<32768x768xf32, #tpu.memory_space<hbm>>) target(%arg10 : memref<16x768xf32, #tpu.memory_space<vmem>>) offsets(%dma_start3A_33 : memref<16xi32, #tpu.memory_space<vmem>>) semaphore(%arg18 : memref<!tpu.dma_semaphore, #tpu.memory_space<semaphore_mem>>)
    %dma_wait3A_37 = arith.constant 16 : i32
    %dma_wait3A_38 = tpu.memref_slice %arg5[%dma_wait3A_37] : memref<1024xi32, #tpu.memory_space<vmem>> -> memref<16xi32, #tpu.memory_space<vmem>>
    %dma_wait3A_39 = arith.constant 0 : i32
    %dma_wait3A_40 = arith.constant 0 : i32
    %dma_wait3A_41 = tpu.memref_slice %arg2[%dma_wait3A_39, %dma_wait3A_40] : memref<32768x768xf32, #tpu.memory_space<hbm>> -> memref<32768x768xf32, #tpu.memory_space<hbm>>
    tpu.wait_indirect_dma semaphore(%arg15 : memref<!tpu.dma_semaphore, #tpu.memory_space<semaphore_mem>>) src(%dma_wait3A_41 : memref<32768x768xf32, #tpu.memory_space<hbm>>) dst(%arg7 : memref<16x768xf32, #tpu.memory_space<vmem>>)
    %add3A_42 = arith.constant 16 : i32
    %add3A_43 = arith.addi %mul3A_2, %add3A_42 : i32
    %dma_start3A_44 = arith.constant 0 : i32
    %dma_start3A_45 = tpu.memref_slice %arg4[%add3A_43, %dma_start3A_44] : memref<32768x768xf32, #tpu.memory_space<hbm>> -> memref<16x768xf32, #tpu.memory_space<hbm>>
    %dma_start3A_46 = arith.constant 0 : i32
    %dma_start3A_47 = tpu.memref_slice %arg4[%add3A_43, %dma_start3A_46] : memref<32768x768xf32, #tpu.memory_space<hbm>> -> memref<16x768xf32, #tpu.memory_space<hbm>>
    tpu.enqueue_dma source(%arg7 : memref<16x768xf32, #tpu.memory_space<vmem>>) target(%dma_start3A_47 : memref<16x768xf32, #tpu.memory_space<hbm>>) target_semaphore(%arg23 : memref<!tpu.dma_semaphore, #tpu.memory_space<semaphore_mem>>)
    %dma_start3A_48 = arith.constant 80 : i32
    %dma_start3A_49 = tpu.memref_slice %arg5[%dma_start3A_48] : memref<1024xi32, #tpu.memory_space<vmem>> -> memref<16xi32, #tpu.memory_space<vmem>>
    %dma_start3A_50 = arith.constant 0 : i32
    %dma_start3A_51 = arith.constant 0 : i32
    %dma_start3A_52 = tpu.memref_slice %arg2[%dma_start3A_50, %dma_start3A_51] : memref<32768x768xf32, #tpu.memory_space<hbm>> -> memref<32768x768xf32, #tpu.memory_space<hbm>>
    tpu.enqueue_indirect_dma source(%dma_start3A_52 : memref<32768x768xf32, #tpu.memory_space<hbm>>) target(%arg11 : memref<16x768xf32, #tpu.memory_space<vmem>>) offsets(%dma_start3A_49 : memref<16xi32, #tpu.memory_space<vmem>>) semaphore(%arg19 : memref<!tpu.dma_semaphore, #tpu.memory_space<semaphore_mem>>)
    %dma_wait3A_53 = arith.constant 32 : i32
    %dma_wait3A_54 = tpu.memref_slice %arg5[%dma_wait3A_53] : memref<1024xi32, #tpu.memory_space<vmem>> -> memref<16xi32, #tpu.memory_space<vmem>>
    %dma_wait3A_55 = arith.constant 0 : i32
    %dma_wait3A_56 = arith.constant 0 : i32
    %dma_wait3A_57 = tpu.memref_slice %arg2[%dma_wait3A_55, %dma_wait3A_56] : memref<32768x768xf32, #tpu.memory_space<hbm>> -> memref<32768x768xf32, #tpu.memory_space<hbm>>
    tpu.wait_indirect_dma semaphore(%arg16 : memref<!tpu.dma_semaphore, #tpu.memory_space<semaphore_mem>>) src(%dma_wait3A_57 : memref<32768x768xf32, #tpu.memory_space<hbm>>) dst(%arg8 : memref<16x768xf32, #tpu.memory_space<vmem>>)
    %add3A_58 = arith.constant 32 : i32
    %add3A_59 = arith.addi %mul3A_2, %add3A_58 : i32
    %dma_start3A_60 = arith.constant 0 : i32
    %dma_start3A_61 = tpu.memref_slice %arg4[%add3A_59, %dma_start3A_60] : memref<32768x768xf32, #tpu.memory_space<hbm>> -> memref<16x768xf32, #tpu.memory_space<hbm>>
    %dma_start3A_62 = arith.constant 0 : i32
    %dma_start3A_63 = tpu.memref_slice %arg4[%add3A_59, %dma_start3A_62] : memref<32768x768xf32, #tpu.memory_space<hbm>> -> memref<16x768xf32, #tpu.memory_space<hbm>>
    tpu.enqueue_dma source(%arg8 : memref<16x768xf32, #tpu.memory_space<vmem>>) target(%dma_start3A_63 : memref<16x768xf32, #tpu.memory_space<hbm>>) target_semaphore(%arg24 : memref<!tpu.dma_semaphore, #tpu.memory_space<semaphore_mem>>)
    %dma_start3A_64 = arith.constant 96 : i32
    %dma_start3A_65 = tpu.memref_slice %arg5[%dma_start3A_64] : memref<1024xi32, #tpu.memory_space<vmem>> -> memref<16xi32, #tpu.memory_space<vmem>>
    %dma_start3A_66 = arith.constant 0 : i32
    %dma_start3A_67 = arith.constant 0 : i32
    %dma_start3A_68 = tpu.memref_slice %arg2[%dma_start3A_66, %dma_start3A_67] : memref<32768x768xf32, #tpu.memory_space<hbm>> -> memref<32768x768xf32, #tpu.memory_space<hbm>>
    tpu.enqueue_indirect_dma source(%dma_start3A_68 : memref<32768x768xf32, #tpu.memory_space<hbm>>) target(%arg12 : memref<16x768xf32, #tpu.memory_space<vmem>>) offsets(%dma_start3A_65 : memref<16xi32, #tpu.memory_space<vmem>>) semaphore(%arg20 : memref<!tpu.dma_semaphore, #tpu.memory_space<semaphore_mem>>)
    %dma_wait3A_69 = arith.constant 48 : i32
    %dma_wait3A_70 = tpu.memref_slice %arg5[%dma_wait3A_69] : memref<1024xi32, #tpu.memory_space<vmem>> -> memref<16xi32, #tpu.memory_space<vmem>>
    %dma_wait3A_71 = arith.constant 0 : i32
    %dma_wait3A_72 = arith.constant 0 : i32
    %dma_wait3A_73 = tpu.memref_slice %arg2[%dma_wait3A_71, %dma_wait3A_72] : memref<32768x768xf32, #tpu.memory_space<hbm>> -> memref<32768x768xf32, #tpu.memory_space<hbm>>
    tpu.wait_indirect_dma semaphore(%arg17 : memref<!tpu.dma_semaphore, #tpu.memory_space<semaphore_mem>>) src(%dma_wait3A_73 : memref<32768x768xf32, #tpu.memory_space<hbm>>) dst(%arg9 : memref<16x768xf32, #tpu.memory_space<vmem>>)
    %add3A_74 = arith.constant 48 : i32
    %add3A_75 = arith.addi %mul3A_2, %add3A_74 : i32
    %dma_start3A_76 = arith.constant 0 : i32
    %dma_start3A_77 = tpu.memref_slice %arg4[%add3A_75, %dma_start3A_76] : memref<32768x768xf32, #tpu.memory_space<hbm>> -> memref<16x768xf32, #tpu.memory_space<hbm>>
    %dma_start3A_78 = arith.constant 0 : i32
    %dma_start3A_79 = tpu.memref_slice %arg4[%add3A_75, %dma_start3A_78] : memref<32768x768xf32, #tpu.memory_space<hbm>> -> memref<16x768xf32, #tpu.memory_space<hbm>>
    tpu.enqueue_dma source(%arg9 : memref<16x768xf32, #tpu.memory_space<vmem>>) target(%dma_start3A_79 : memref<16x768xf32, #tpu.memory_space<hbm>>) target_semaphore(%arg25 : memref<!tpu.dma_semaphore, #tpu.memory_space<semaphore_mem>>)
    %dma_start3A_80 = arith.constant 112 : i32
    %dma_start3A_81 = tpu.memref_slice %arg5[%dma_start3A_80] : memref<1024xi32, #tpu.memory_space<vmem>> -> memref<16xi32, #tpu.memory_space<vmem>>
    %dma_start3A_82 = arith.constant 0 : i32
    %dma_start3A_83 = arith.constant 0 : i32
    %dma_start3A_84 = tpu.memref_slice %arg2[%dma_start3A_82, %dma_start3A_83] : memref<32768x768xf32, #tpu.memory_space<hbm>> -> memref<32768x768xf32, #tpu.memory_space<hbm>>
    tpu.enqueue_indirect_dma source(%dma_start3A_84 : memref<32768x768xf32, #tpu.memory_space<hbm>>) target(%arg13 : memref<16x768xf32, #tpu.memory_space<vmem>>) offsets(%dma_start3A_81 : memref<16xi32, #tpu.memory_space<vmem>>) semaphore(%arg21 : memref<!tpu.dma_semaphore, #tpu.memory_space<semaphore_mem>>)
    %scan3A = arith.constant 0 : i32
    %scan3A_85 = arith.constant 0 : i32
    %scan3A_86 = arith.constant 7 : i32
    %scan3A_87 = arith.addi %scan3A_85, %scan3A_86 : i32
    %scan3A_88 = arith.constant 1 : i32
    scf.for %scan3A_182 = %scan3A_85 to %scan3A_87 step %scan3A_88  : i32 {
      %mul3A_183 = arith.constant 8 : i32
      %mul3A_184 = arith.muli %mul3A_183, %scan3A_182 : i32
      %add3A_185 = arith.constant 4 : i32
      %add3A_186 = arith.addi %mul3A_184, %add3A_185 : i32
      %add3A_187 = arith.constant 0 : i32
      %add3A_188 = arith.addi %add3A_186, %add3A_187 : i32
      %mul3A_189 = arith.constant 16 : i32
      %mul3A_190 = arith.muli %add3A_188, %mul3A_189 : i32
      %dma_wait3A_191 = tpu.memref_slice %arg5[%mul3A_190] : memref<1024xi32, #tpu.memory_space<vmem>> -> memref<16xi32, #tpu.memory_space<vmem>>
      %dma_wait3A_192 = arith.constant 0 : i32
      %dma_wait3A_193 = arith.constant 0 : i32
      %dma_wait3A_194 = tpu.memref_slice %arg2[%dma_wait3A_192, %dma_wait3A_193] : memref<32768x768xf32, #tpu.memory_space<hbm>> -> memref<32768x768xf32, #tpu.memory_space<hbm>>
      tpu.wait_indirect_dma semaphore(%arg18 : memref<!tpu.dma_semaphore, #tpu.memory_space<semaphore_mem>>) src(%dma_wait3A_194 : memref<32768x768xf32, #tpu.memory_space<hbm>>) dst(%arg10 : memref<16x768xf32, #tpu.memory_space<vmem>>)
      %mul3A_195 = arith.constant 16 : i32
      %mul3A_196 = arith.muli %add3A_188, %mul3A_195 : i32
      %add3A_197 = arith.addi %mul3A_2, %mul3A_196 : i32
      %dma_start3A_198 = arith.constant 0 : i32
      %dma_start3A_199 = tpu.memref_slice %arg4[%add3A_197, %dma_start3A_198] : memref<32768x768xf32, #tpu.memory_space<hbm>> -> memref<16x768xf32, #tpu.memory_space<hbm>>
      %dma_start3A_200 = arith.constant 0 : i32
      %dma_start3A_201 = tpu.memref_slice %arg4[%add3A_197, %dma_start3A_200] : memref<32768x768xf32, #tpu.memory_space<hbm>> -> memref<16x768xf32, #tpu.memory_space<hbm>>
      tpu.enqueue_dma source(%arg10 : memref<16x768xf32, #tpu.memory_space<vmem>>) target(%dma_start3A_201 : memref<16x768xf32, #tpu.memory_space<hbm>>) target_semaphore(%arg26 : memref<!tpu.dma_semaphore, #tpu.memory_space<semaphore_mem>>)
      %add3A_202 = arith.constant 4 : i32
      %add3A_203 = arith.addi %add3A_188, %add3A_202 : i32
      %sub3A = arith.constant 8 : i32
      %sub3A_204 = arith.subi %add3A_203, %sub3A : i32
      %mul3A_205 = arith.constant 16 : i32
      %mul3A_206 = arith.muli %sub3A_204, %mul3A_205 : i32
      %add3A_207 = arith.addi %mul3A_2, %mul3A_206 : i32
      %dma_wait3A_208 = arith.constant 0 : i32
      %dma_wait3A_209 = tpu.memref_slice %arg4[%add3A_207, %dma_wait3A_208] : memref<32768x768xf32, #tpu.memory_space<hbm>> -> memref<16x768xf32, #tpu.memory_space<hbm>>
      %dma_wait3A_210 = arith.constant 0 : i32
      %dma_wait3A_211 = tpu.memref_slice %arg4[%add3A_207, %dma_wait3A_210] : memref<32768x768xf32, #tpu.memory_space<hbm>> -> memref<16x768xf32, #tpu.memory_space<hbm>>
      tpu.wait_dma2 semaphore(%arg22 : memref<!tpu.dma_semaphore, #tpu.memory_space<semaphore_mem>>) src(%arg6 : memref<16x768xf32, #tpu.memory_space<vmem>>) dst(%dma_wait3A_211 : memref<16x768xf32, #tpu.memory_space<hbm>>)
      %add3A_212 = arith.constant 4 : i32
      %add3A_213 = arith.addi %add3A_188, %add3A_212 : i32
      %mul3A_214 = arith.constant 16 : i32
      %mul3A_215 = arith.muli %add3A_213, %mul3A_214 : i32
      %dma_start3A_216 = tpu.memref_slice %arg5[%mul3A_215] : memref<1024xi32, #tpu.memory_space<vmem>> -> memref<16xi32, #tpu.memory_space<vmem>>
      %dma_start3A_217 = arith.constant 0 : i32
      %dma_start3A_218 = arith.constant 0 : i32
      %dma_start3A_219 = tpu.memref_slice %arg2[%dma_start3A_217, %dma_start3A_218] : memref<32768x768xf32, #tpu.memory_space<hbm>> -> memref<32768x768xf32, #tpu.memory_space<hbm>>
      tpu.enqueue_indirect_dma source(%dma_start3A_219 : memref<32768x768xf32, #tpu.memory_space<hbm>>) target(%arg6 : memref<16x768xf32, #tpu.memory_space<vmem>>) offsets(%dma_start3A_216 : memref<16xi32, #tpu.memory_space<vmem>>) semaphore(%arg14 : memref<!tpu.dma_semaphore, #tpu.memory_space<semaphore_mem>>)
      %add3A_220 = arith.constant 1 : i32
      %add3A_221 = arith.addi %add3A_186, %add3A_220 : i32
      %mul3A_222 = arith.constant 16 : i32
      %mul3A_223 = arith.muli %add3A_221, %mul3A_222 : i32
      %dma_wait3A_224 = tpu.memref_slice %arg5[%mul3A_223] : memref<1024xi32, #tpu.memory_space<vmem>> -> memref<16xi32, #tpu.memory_space<vmem>>
      %dma_wait3A_225 = arith.constant 0 : i32
      %dma_wait3A_226 = arith.constant 0 : i32
      %dma_wait3A_227 = tpu.memref_slice %arg2[%dma_wait3A_225, %dma_wait3A_226] : memref<32768x768xf32, #tpu.memory_space<hbm>> -> memref<32768x768xf32, #tpu.memory_space<hbm>>
      tpu.wait_indirect_dma semaphore(%arg19 : memref<!tpu.dma_semaphore, #tpu.memory_space<semaphore_mem>>) src(%dma_wait3A_227 : memref<32768x768xf32, #tpu.memory_space<hbm>>) dst(%arg11 : memref<16x768xf32, #tpu.memory_space<vmem>>)
      %mul3A_228 = arith.constant 16 : i32
      %mul3A_229 = arith.muli %add3A_221, %mul3A_228 : i32
      %add3A_230 = arith.addi %mul3A_2, %mul3A_229 : i32
      %dma_start3A_231 = arith.constant 0 : i32
      %dma_start3A_232 = tpu.memref_slice %arg4[%add3A_230, %dma_start3A_231] : memref<32768x768xf32, #tpu.memory_space<hbm>> -> memref<16x768xf32, #tpu.memory_space<hbm>>
      %dma_start3A_233 = arith.constant 0 : i32
      %dma_start3A_234 = tpu.memref_slice %arg4[%add3A_230, %dma_start3A_233] : memref<32768x768xf32, #tpu.memory_space<hbm>> -> memref<16x768xf32, #tpu.memory_space<hbm>>
      tpu.enqueue_dma source(%arg11 : memref<16x768xf32, #tpu.memory_space<vmem>>) target(%dma_start3A_234 : memref<16x768xf32, #tpu.memory_space<hbm>>) target_semaphore(%arg27 : memref<!tpu.dma_semaphore, #tpu.memory_space<semaphore_mem>>)
      %add3A_235 = arith.constant 4 : i32
      %add3A_236 = arith.addi %add3A_221, %add3A_235 : i32
      %sub3A_237 = arith.constant 8 : i32
      %sub3A_238 = arith.subi %add3A_236, %sub3A_237 : i32
      %mul3A_239 = arith.constant 16 : i32
      %mul3A_240 = arith.muli %sub3A_238, %mul3A_239 : i32
      %add3A_241 = arith.addi %mul3A_2, %mul3A_240 : i32
      %dma_wait3A_242 = arith.constant 0 : i32
      %dma_wait3A_243 = tpu.memref_slice %arg4[%add3A_241, %dma_wait3A_242] : memref<32768x768xf32, #tpu.memory_space<hbm>> -> memref<16x768xf32, #tpu.memory_space<hbm>>
      %dma_wait3A_244 = arith.constant 0 : i32
      %dma_wait3A_245 = tpu.memref_slice %arg4[%add3A_241, %dma_wait3A_244] : memref<32768x768xf32, #tpu.memory_space<hbm>> -> memref<16x768xf32, #tpu.memory_space<hbm>>
      tpu.wait_dma2 semaphore(%arg23 : memref<!tpu.dma_semaphore, #tpu.memory_space<semaphore_mem>>) src(%arg7 : memref<16x768xf32, #tpu.memory_space<vmem>>) dst(%dma_wait3A_245 : memref<16x768xf32, #tpu.memory_space<hbm>>)
      %add3A_246 = arith.constant 4 : i32
      %add3A_247 = arith.addi %add3A_221, %add3A_246 : i32
      %mul3A_248 = arith.constant 16 : i32
      %mul3A_249 = arith.muli %add3A_247, %mul3A_248 : i32
      %dma_start3A_250 = tpu.memref_slice %arg5[%mul3A_249] : memref<1024xi32, #tpu.memory_space<vmem>> -> memref<16xi32, #tpu.memory_space<vmem>>
      %dma_start3A_251 = arith.constant 0 : i32
      %dma_start3A_252 = arith.constant 0 : i32
      %dma_start3A_253 = tpu.memref_slice %arg2[%dma_start3A_251, %dma_start3A_252] : memref<32768x768xf32, #tpu.memory_space<hbm>> -> memref<32768x768xf32, #tpu.memory_space<hbm>>
      tpu.enqueue_indirect_dma source(%dma_start3A_253 : memref<32768x768xf32, #tpu.memory_space<hbm>>) target(%arg7 : memref<16x768xf32, #tpu.memory_space<vmem>>) offsets(%dma_start3A_250 : memref<16xi32, #tpu.memory_space<vmem>>) semaphore(%arg15 : memref<!tpu.dma_semaphore, #tpu.memory_space<semaphore_mem>>)
      %add3A_254 = arith.constant 2 : i32
      %add3A_255 = arith.addi %add3A_186, %add3A_254 : i32
      %mul3A_256 = arith.constant 16 : i32
      %mul3A_257 = arith.muli %add3A_255, %mul3A_256 : i32
      %dma_wait3A_258 = tpu.memref_slice %arg5[%mul3A_257] : memref<1024xi32, #tpu.memory_space<vmem>> -> memref<16xi32, #tpu.memory_space<vmem>>
      %dma_wait3A_259 = arith.constant 0 : i32
      %dma_wait3A_260 = arith.constant 0 : i32
      %dma_wait3A_261 = tpu.memref_slice %arg2[%dma_wait3A_259, %dma_wait3A_260] : memref<32768x768xf32, #tpu.memory_space<hbm>> -> memref<32768x768xf32, #tpu.memory_space<hbm>>
      tpu.wait_indirect_dma semaphore(%arg20 : memref<!tpu.dma_semaphore, #tpu.memory_space<semaphore_mem>>) src(%dma_wait3A_261 : memref<32768x768xf32, #tpu.memory_space<hbm>>) dst(%arg12 : memref<16x768xf32, #tpu.memory_space<vmem>>)
      %mul3A_262 = arith.constant 16 : i32
      %mul3A_263 = arith.muli %add3A_255, %mul3A_262 : i32
      %add3A_264 = arith.addi %mul3A_2, %mul3A_263 : i32
      %dma_start3A_265 = arith.constant 0 : i32
      %dma_start3A_266 = tpu.memref_slice %arg4[%add3A_264, %dma_start3A_265] : memref<32768x768xf32, #tpu.memory_space<hbm>> -> memref<16x768xf32, #tpu.memory_space<hbm>>
      %dma_start3A_267 = arith.constant 0 : i32
      %dma_start3A_268 = tpu.memref_slice %arg4[%add3A_264, %dma_start3A_267] : memref<32768x768xf32, #tpu.memory_space<hbm>> -> memref<16x768xf32, #tpu.memory_space<hbm>>
      tpu.enqueue_dma source(%arg12 : memref<16x768xf32, #tpu.memory_space<vmem>>) target(%dma_start3A_268 : memref<16x768xf32, #tpu.memory_space<hbm>>) target_semaphore(%arg28 : memref<!tpu.dma_semaphore, #tpu.memory_space<semaphore_mem>>)
      %add3A_269 = arith.constant 4 : i32
      %add3A_270 = arith.addi %add3A_255, %add3A_269 : i32
      %sub3A_271 = arith.constant 8 : i32
      %sub3A_272 = arith.subi %add3A_270, %sub3A_271 : i32
      %mul3A_273 = arith.constant 16 : i32
      %mul3A_274 = arith.muli %sub3A_272, %mul3A_273 : i32
      %add3A_275 = arith.addi %mul3A_2, %mul3A_274 : i32
      %dma_wait3A_276 = arith.constant 0 : i32
      %dma_wait3A_277 = tpu.memref_slice %arg4[%add3A_275, %dma_wait3A_276] : memref<32768x768xf32, #tpu.memory_space<hbm>> -> memref<16x768xf32, #tpu.memory_space<hbm>>
      %dma_wait3A_278 = arith.constant 0 : i32
      %dma_wait3A_279 = tpu.memref_slice %arg4[%add3A_275, %dma_wait3A_278] : memref<32768x768xf32, #tpu.memory_space<hbm>> -> memref<16x768xf32, #tpu.memory_space<hbm>>
      tpu.wait_dma2 semaphore(%arg24 : memref<!tpu.dma_semaphore, #tpu.memory_space<semaphore_mem>>) src(%arg8 : memref<16x768xf32, #tpu.memory_space<vmem>>) dst(%dma_wait3A_279 : memref<16x768xf32, #tpu.memory_space<hbm>>)
      %add3A_280 = arith.constant 4 : i32
      %add3A_281 = arith.addi %add3A_255, %add3A_280 : i32
      %mul3A_282 = arith.constant 16 : i32
      %mul3A_283 = arith.muli %add3A_281, %mul3A_282 : i32
      %dma_start3A_284 = tpu.memref_slice %arg5[%mul3A_283] : memref<1024xi32, #tpu.memory_space<vmem>> -> memref<16xi32, #tpu.memory_space<vmem>>
      %dma_start3A_285 = arith.constant 0 : i32
      %dma_start3A_286 = arith.constant 0 : i32
      %dma_start3A_287 = tpu.memref_slice %arg2[%dma_start3A_285, %dma_start3A_286] : memref<32768x768xf32, #tpu.memory_space<hbm>> -> memref<32768x768xf32, #tpu.memory_space<hbm>>
      tpu.enqueue_indirect_dma source(%dma_start3A_287 : memref<32768x768xf32, #tpu.memory_space<hbm>>) target(%arg8 : memref<16x768xf32, #tpu.memory_space<vmem>>) offsets(%dma_start3A_284 : memref<16xi32, #tpu.memory_space<vmem>>) semaphore(%arg16 : memref<!tpu.dma_semaphore, #tpu.memory_space<semaphore_mem>>)
      %add3A_288 = arith.constant 3 : i32
      %add3A_289 = arith.addi %add3A_186, %add3A_288 : i32
      %mul3A_290 = arith.constant 16 : i32
      %mul3A_291 = arith.muli %add3A_289, %mul3A_290 : i32
      %dma_wait3A_292 = tpu.memref_slice %arg5[%mul3A_291] : memref<1024xi32, #tpu.memory_space<vmem>> -> memref<16xi32, #tpu.memory_space<vmem>>
      %dma_wait3A_293 = arith.constant 0 : i32
      %dma_wait3A_294 = arith.constant 0 : i32
      %dma_wait3A_295 = tpu.memref_slice %arg2[%dma_wait3A_293, %dma_wait3A_294] : memref<32768x768xf32, #tpu.memory_space<hbm>> -> memref<32768x768xf32, #tpu.memory_space<hbm>>
      tpu.wait_indirect_dma semaphore(%arg21 : memref<!tpu.dma_semaphore, #tpu.memory_space<semaphore_mem>>) src(%dma_wait3A_295 : memref<32768x768xf32, #tpu.memory_space<hbm>>) dst(%arg13 : memref<16x768xf32, #tpu.memory_space<vmem>>)
      %mul3A_296 = arith.constant 16 : i32
      %mul3A_297 = arith.muli %add3A_289, %mul3A_296 : i32
      %add3A_298 = arith.addi %mul3A_2, %mul3A_297 : i32
      %dma_start3A_299 = arith.constant 0 : i32
      %dma_start3A_300 = tpu.memref_slice %arg4[%add3A_298, %dma_start3A_299] : memref<32768x768xf32, #tpu.memory_space<hbm>> -> memref<16x768xf32, #tpu.memory_space<hbm>>
      %dma_start3A_301 = arith.constant 0 : i32
      %dma_start3A_302 = tpu.memref_slice %arg4[%add3A_298, %dma_start3A_301] : memref<32768x768xf32, #tpu.memory_space<hbm>> -> memref<16x768xf32, #tpu.memory_space<hbm>>
      tpu.enqueue_dma source(%arg13 : memref<16x768xf32, #tpu.memory_space<vmem>>) target(%dma_start3A_302 : memref<16x768xf32, #tpu.memory_space<hbm>>) target_semaphore(%arg29 : memref<!tpu.dma_semaphore, #tpu.memory_space<semaphore_mem>>)
      %add3A_303 = arith.constant 4 : i32
      %add3A_304 = arith.addi %add3A_289, %add3A_303 : i32
      %sub3A_305 = arith.constant 8 : i32
      %sub3A_306 = arith.subi %add3A_304, %sub3A_305 : i32
      %mul3A_307 = arith.constant 16 : i32
      %mul3A_308 = arith.muli %sub3A_306, %mul3A_307 : i32
      %add3A_309 = arith.addi %mul3A_2, %mul3A_308 : i32
      %dma_wait3A_310 = arith.constant 0 : i32
      %dma_wait3A_311 = tpu.memref_slice %arg4[%add3A_309, %dma_wait3A_310] : memref<32768x768xf32, #tpu.memory_space<hbm>> -> memref<16x768xf32, #tpu.memory_space<hbm>>
      %dma_wait3A_312 = arith.constant 0 : i32
      %dma_wait3A_313 = tpu.memref_slice %arg4[%add3A_309, %dma_wait3A_312] : memref<32768x768xf32, #tpu.memory_space<hbm>> -> memref<16x768xf32, #tpu.memory_space<hbm>>
      tpu.wait_dma2 semaphore(%arg25 : memref<!tpu.dma_semaphore, #tpu.memory_space<semaphore_mem>>) src(%arg9 : memref<16x768xf32, #tpu.memory_space<vmem>>) dst(%dma_wait3A_313 : memref<16x768xf32, #tpu.memory_space<hbm>>)
      %add3A_314 = arith.constant 4 : i32
      %add3A_315 = arith.addi %add3A_289, %add3A_314 : i32
      %mul3A_316 = arith.constant 16 : i32
      %mul3A_317 = arith.muli %add3A_315, %mul3A_316 : i32
      %dma_start3A_318 = tpu.memref_slice %arg5[%mul3A_317] : memref<1024xi32, #tpu.memory_space<vmem>> -> memref<16xi32, #tpu.memory_space<vmem>>
      %dma_start3A_319 = arith.constant 0 : i32
      %dma_start3A_320 = arith.constant 0 : i32
      %dma_start3A_321 = tpu.memref_slice %arg2[%dma_start3A_319, %dma_start3A_320] : memref<32768x768xf32, #tpu.memory_space<hbm>> -> memref<32768x768xf32, #tpu.memory_space<hbm>>
      tpu.enqueue_indirect_dma source(%dma_start3A_321 : memref<32768x768xf32, #tpu.memory_space<hbm>>) target(%arg9 : memref<16x768xf32, #tpu.memory_space<vmem>>) offsets(%dma_start3A_318 : memref<16xi32, #tpu.memory_space<vmem>>) semaphore(%arg17 : memref<!tpu.dma_semaphore, #tpu.memory_space<semaphore_mem>>)
      %add3A_322 = arith.constant 4 : i32
      %add3A_323 = arith.addi %add3A_186, %add3A_322 : i32
      %mul3A_324 = arith.constant 16 : i32
      %mul3A_325 = arith.muli %add3A_323, %mul3A_324 : i32
      %dma_wait3A_326 = tpu.memref_slice %arg5[%mul3A_325] : memref<1024xi32, #tpu.memory_space<vmem>> -> memref<16xi32, #tpu.memory_space<vmem>>
      %dma_wait3A_327 = arith.constant 0 : i32
      %dma_wait3A_328 = arith.constant 0 : i32
      %dma_wait3A_329 = tpu.memref_slice %arg2[%dma_wait3A_327, %dma_wait3A_328] : memref<32768x768xf32, #tpu.memory_space<hbm>> -> memref<32768x768xf32, #tpu.memory_space<hbm>>
      tpu.wait_indirect_dma semaphore(%arg14 : memref<!tpu.dma_semaphore, #tpu.memory_space<semaphore_mem>>) src(%dma_wait3A_329 : memref<32768x768xf32, #tpu.memory_space<hbm>>) dst(%arg6 : memref<16x768xf32, #tpu.memory_space<vmem>>)
      %mul3A_330 = arith.constant 16 : i32
      %mul3A_331 = arith.muli %add3A_323, %mul3A_330 : i32
      %add3A_332 = arith.addi %mul3A_2, %mul3A_331 : i32
      %dma_start3A_333 = arith.constant 0 : i32
      %dma_start3A_334 = tpu.memref_slice %arg4[%add3A_332, %dma_start3A_333] : memref<32768x768xf32, #tpu.memory_space<hbm>> -> memref<16x768xf32, #tpu.memory_space<hbm>>
      %dma_start3A_335 = arith.constant 0 : i32
      %dma_start3A_336 = tpu.memref_slice %arg4[%add3A_332, %dma_start3A_335] : memref<32768x768xf32, #tpu.memory_space<hbm>> -> memref<16x768xf32, #tpu.memory_space<hbm>>
      tpu.enqueue_dma source(%arg6 : memref<16x768xf32, #tpu.memory_space<vmem>>) target(%dma_start3A_336 : memref<16x768xf32, #tpu.memory_space<hbm>>) target_semaphore(%arg22 : memref<!tpu.dma_semaphore, #tpu.memory_space<semaphore_mem>>)
      %add3A_337 = arith.constant 4 : i32
      %add3A_338 = arith.addi %add3A_323, %add3A_337 : i32
      %sub3A_339 = arith.constant 8 : i32
      %sub3A_340 = arith.subi %add3A_338, %sub3A_339 : i32
      %mul3A_341 = arith.constant 16 : i32
      %mul3A_342 = arith.muli %sub3A_340, %mul3A_341 : i32
      %add3A_343 = arith.addi %mul3A_2, %mul3A_342 : i32
      %dma_wait3A_344 = arith.constant 0 : i32
      %dma_wait3A_345 = tpu.memref_slice %arg4[%add3A_343, %dma_wait3A_344] : memref<32768x768xf32, #tpu.memory_space<hbm>> -> memref<16x768xf32, #tpu.memory_space<hbm>>
      %dma_wait3A_346 = arith.constant 0 : i32
      %dma_wait3A_347 = tpu.memref_slice %arg4[%add3A_343, %dma_wait3A_346] : memref<32768x768xf32, #tpu.memory_space<hbm>> -> memref<16x768xf32, #tpu.memory_space<hbm>>
      tpu.wait_dma2 semaphore(%arg26 : memref<!tpu.dma_semaphore, #tpu.memory_space<semaphore_mem>>) src(%arg10 : memref<16x768xf32, #tpu.memory_space<vmem>>) dst(%dma_wait3A_347 : memref<16x768xf32, #tpu.memory_space<hbm>>)
      %add3A_348 = arith.constant 4 : i32
      %add3A_349 = arith.addi %add3A_323, %add3A_348 : i32
      %mul3A_350 = arith.constant 16 : i32
      %mul3A_351 = arith.muli %add3A_349, %mul3A_350 : i32
      %dma_start3A_352 = tpu.memref_slice %arg5[%mul3A_351] : memref<1024xi32, #tpu.memory_space<vmem>> -> memref<16xi32, #tpu.memory_space<vmem>>
      %dma_start3A_353 = arith.constant 0 : i32
      %dma_start3A_354 = arith.constant 0 : i32
      %dma_start3A_355 = tpu.memref_slice %arg2[%dma_start3A_353, %dma_start3A_354] : memref<32768x768xf32, #tpu.memory_space<hbm>> -> memref<32768x768xf32, #tpu.memory_space<hbm>>
      tpu.enqueue_indirect_dma source(%dma_start3A_355 : memref<32768x768xf32, #tpu.memory_space<hbm>>) target(%arg10 : memref<16x768xf32, #tpu.memory_space<vmem>>) offsets(%dma_start3A_352 : memref<16xi32, #tpu.memory_space<vmem>>) semaphore(%arg18 : memref<!tpu.dma_semaphore, #tpu.memory_space<semaphore_mem>>)
      %add3A_356 = arith.constant 5 : i32
      %add3A_357 = arith.addi %add3A_186, %add3A_356 : i32
      %mul3A_358 = arith.constant 16 : i32
      %mul3A_359 = arith.muli %add3A_357, %mul3A_358 : i32
      %dma_wait3A_360 = tpu.memref_slice %arg5[%mul3A_359] : memref<1024xi32, #tpu.memory_space<vmem>> -> memref<16xi32, #tpu.memory_space<vmem>>
      %dma_wait3A_361 = arith.constant 0 : i32
      %dma_wait3A_362 = arith.constant 0 : i32
      %dma_wait3A_363 = tpu.memref_slice %arg2[%dma_wait3A_361, %dma_wait3A_362] : memref<32768x768xf32, #tpu.memory_space<hbm>> -> memref<32768x768xf32, #tpu.memory_space<hbm>>
      tpu.wait_indirect_dma semaphore(%arg15 : memref<!tpu.dma_semaphore, #tpu.memory_space<semaphore_mem>>) src(%dma_wait3A_363 : memref<32768x768xf32, #tpu.memory_space<hbm>>) dst(%arg7 : memref<16x768xf32, #tpu.memory_space<vmem>>)
      %mul3A_364 = arith.constant 16 : i32
      %mul3A_365 = arith.muli %add3A_357, %mul3A_364 : i32
      %add3A_366 = arith.addi %mul3A_2, %mul3A_365 : i32
      %dma_start3A_367 = arith.constant 0 : i32
      %dma_start3A_368 = tpu.memref_slice %arg4[%add3A_366, %dma_start3A_367] : memref<32768x768xf32, #tpu.memory_space<hbm>> -> memref<16x768xf32, #tpu.memory_space<hbm>>
      %dma_start3A_369 = arith.constant 0 : i32
      %dma_start3A_370 = tpu.memref_slice %arg4[%add3A_366, %dma_start3A_369] : memref<32768x768xf32, #tpu.memory_space<hbm>> -> memref<16x768xf32, #tpu.memory_space<hbm>>
      tpu.enqueue_dma source(%arg7 : memref<16x768xf32, #tpu.memory_space<vmem>>) target(%dma_start3A_370 : memref<16x768xf32, #tpu.memory_space<hbm>>) target_semaphore(%arg23 : memref<!tpu.dma_semaphore, #tpu.memory_space<semaphore_mem>>)
      %add3A_371 = arith.constant 4 : i32
      %add3A_372 = arith.addi %add3A_357, %add3A_371 : i32
      %sub3A_373 = arith.constant 8 : i32
      %sub3A_374 = arith.subi %add3A_372, %sub3A_373 : i32
      %mul3A_375 = arith.constant 16 : i32
      %mul3A_376 = arith.muli %sub3A_374, %mul3A_375 : i32
      %add3A_377 = arith.addi %mul3A_2, %mul3A_376 : i32
      %dma_wait3A_378 = arith.constant 0 : i32
      %dma_wait3A_379 = tpu.memref_slice %arg4[%add3A_377, %dma_wait3A_378] : memref<32768x768xf32, #tpu.memory_space<hbm>> -> memref<16x768xf32, #tpu.memory_space<hbm>>
      %dma_wait3A_380 = arith.constant 0 : i32
      %dma_wait3A_381 = tpu.memref_slice %arg4[%add3A_377, %dma_wait3A_380] : memref<32768x768xf32, #tpu.memory_space<hbm>> -> memref<16x768xf32, #tpu.memory_space<hbm>>
      tpu.wait_dma2 semaphore(%arg27 : memref<!tpu.dma_semaphore, #tpu.memory_space<semaphore_mem>>) src(%arg11 : memref<16x768xf32, #tpu.memory_space<vmem>>) dst(%dma_wait3A_381 : memref<16x768xf32, #tpu.memory_space<hbm>>)
      %add3A_382 = arith.constant 4 : i32
      %add3A_383 = arith.addi %add3A_357, %add3A_382 : i32
      %mul3A_384 = arith.constant 16 : i32
      %mul3A_385 = arith.muli %add3A_383, %mul3A_384 : i32
      %dma_start3A_386 = tpu.memref_slice %arg5[%mul3A_385] : memref<1024xi32, #tpu.memory_space<vmem>> -> memref<16xi32, #tpu.memory_space<vmem>>
      %dma_start3A_387 = arith.constant 0 : i32
      %dma_start3A_388 = arith.constant 0 : i32
      %dma_start3A_389 = tpu.memref_slice %arg2[%dma_start3A_387, %dma_start3A_388] : memref<32768x768xf32, #tpu.memory_space<hbm>> -> memref<32768x768xf32, #tpu.memory_space<hbm>>
      tpu.enqueue_indirect_dma source(%dma_start3A_389 : memref<32768x768xf32, #tpu.memory_space<hbm>>) target(%arg11 : memref<16x768xf32, #tpu.memory_space<vmem>>) offsets(%dma_start3A_386 : memref<16xi32, #tpu.memory_space<vmem>>) semaphore(%arg19 : memref<!tpu.dma_semaphore, #tpu.memory_space<semaphore_mem>>)
      %add3A_390 = arith.constant 6 : i32
      %add3A_391 = arith.addi %add3A_186, %add3A_390 : i32
      %mul3A_392 = arith.constant 16 : i32
      %mul3A_393 = arith.muli %add3A_391, %mul3A_392 : i32
      %dma_wait3A_394 = tpu.memref_slice %arg5[%mul3A_393] : memref<1024xi32, #tpu.memory_space<vmem>> -> memref<16xi32, #tpu.memory_space<vmem>>
      %dma_wait3A_395 = arith.constant 0 : i32
      %dma_wait3A_396 = arith.constant 0 : i32
      %dma_wait3A_397 = tpu.memref_slice %arg2[%dma_wait3A_395, %dma_wait3A_396] : memref<32768x768xf32, #tpu.memory_space<hbm>> -> memref<32768x768xf32, #tpu.memory_space<hbm>>
      tpu.wait_indirect_dma semaphore(%arg16 : memref<!tpu.dma_semaphore, #tpu.memory_space<semaphore_mem>>) src(%dma_wait3A_397 : memref<32768x768xf32, #tpu.memory_space<hbm>>) dst(%arg8 : memref<16x768xf32, #tpu.memory_space<vmem>>)
      %mul3A_398 = arith.constant 16 : i32
      %mul3A_399 = arith.muli %add3A_391, %mul3A_398 : i32
      %add3A_400 = arith.addi %mul3A_2, %mul3A_399 : i32
      %dma_start3A_401 = arith.constant 0 : i32
      %dma_start3A_402 = tpu.memref_slice %arg4[%add3A_400, %dma_start3A_401] : memref<32768x768xf32, #tpu.memory_space<hbm>> -> memref<16x768xf32, #tpu.memory_space<hbm>>
      %dma_start3A_403 = arith.constant 0 : i32
      %dma_start3A_404 = tpu.memref_slice %arg4[%add3A_400, %dma_start3A_403] : memref<32768x768xf32, #tpu.memory_space<hbm>> -> memref<16x768xf32, #tpu.memory_space<hbm>>
      tpu.enqueue_dma source(%arg8 : memref<16x768xf32, #tpu.memory_space<vmem>>) target(%dma_start3A_404 : memref<16x768xf32, #tpu.memory_space<hbm>>) target_semaphore(%arg24 : memref<!tpu.dma_semaphore, #tpu.memory_space<semaphore_mem>>)
      %add3A_405 = arith.constant 4 : i32
      %add3A_406 = arith.addi %add3A_391, %add3A_405 : i32
      %sub3A_407 = arith.constant 8 : i32
      %sub3A_408 = arith.subi %add3A_406, %sub3A_407 : i32
      %mul3A_409 = arith.constant 16 : i32
      %mul3A_410 = arith.muli %sub3A_408, %mul3A_409 : i32
      %add3A_411 = arith.addi %mul3A_2, %mul3A_410 : i32
      %dma_wait3A_412 = arith.constant 0 : i32
      %dma_wait3A_413 = tpu.memref_slice %arg4[%add3A_411, %dma_wait3A_412] : memref<32768x768xf32, #tpu.memory_space<hbm>> -> memref<16x768xf32, #tpu.memory_space<hbm>>
      %dma_wait3A_414 = arith.constant 0 : i32
      %dma_wait3A_415 = tpu.memref_slice %arg4[%add3A_411, %dma_wait3A_414] : memref<32768x768xf32, #tpu.memory_space<hbm>> -> memref<16x768xf32, #tpu.memory_space<hbm>>
      tpu.wait_dma2 semaphore(%arg28 : memref<!tpu.dma_semaphore, #tpu.memory_space<semaphore_mem>>) src(%arg12 : memref<16x768xf32, #tpu.memory_space<vmem>>) dst(%dma_wait3A_415 : memref<16x768xf32, #tpu.memory_space<hbm>>)
      %add3A_416 = arith.constant 4 : i32
      %add3A_417 = arith.addi %add3A_391, %add3A_416 : i32
      %mul3A_418 = arith.constant 16 : i32
      %mul3A_419 = arith.muli %add3A_417, %mul3A_418 : i32
      %dma_start3A_420 = tpu.memref_slice %arg5[%mul3A_419] : memref<1024xi32, #tpu.memory_space<vmem>> -> memref<16xi32, #tpu.memory_space<vmem>>
      %dma_start3A_421 = arith.constant 0 : i32
      %dma_start3A_422 = arith.constant 0 : i32
      %dma_start3A_423 = tpu.memref_slice %arg2[%dma_start3A_421, %dma_start3A_422] : memref<32768x768xf32, #tpu.memory_space<hbm>> -> memref<32768x768xf32, #tpu.memory_space<hbm>>
      tpu.enqueue_indirect_dma source(%dma_start3A_423 : memref<32768x768xf32, #tpu.memory_space<hbm>>) target(%arg12 : memref<16x768xf32, #tpu.memory_space<vmem>>) offsets(%dma_start3A_420 : memref<16xi32, #tpu.memory_space<vmem>>) semaphore(%arg20 : memref<!tpu.dma_semaphore, #tpu.memory_space<semaphore_mem>>)
      %add3A_424 = arith.constant 7 : i32
      %add3A_425 = arith.addi %add3A_186, %add3A_424 : i32
      %mul3A_426 = arith.constant 16 : i32
      %mul3A_427 = arith.muli %add3A_425, %mul3A_426 : i32
      %dma_wait3A_428 = tpu.memref_slice %arg5[%mul3A_427] : memref<1024xi32, #tpu.memory_space<vmem>> -> memref<16xi32, #tpu.memory_space<vmem>>
      %dma_wait3A_429 = arith.constant 0 : i32
      %dma_wait3A_430 = arith.constant 0 : i32
      %dma_wait3A_431 = tpu.memref_slice %arg2[%dma_wait3A_429, %dma_wait3A_430] : memref<32768x768xf32, #tpu.memory_space<hbm>> -> memref<32768x768xf32, #tpu.memory_space<hbm>>
      tpu.wait_indirect_dma semaphore(%arg17 : memref<!tpu.dma_semaphore, #tpu.memory_space<semaphore_mem>>) src(%dma_wait3A_431 : memref<32768x768xf32, #tpu.memory_space<hbm>>) dst(%arg9 : memref<16x768xf32, #tpu.memory_space<vmem>>)
      %mul3A_432 = arith.constant 16 : i32
      %mul3A_433 = arith.muli %add3A_425, %mul3A_432 : i32
      %add3A_434 = arith.addi %mul3A_2, %mul3A_433 : i32
      %dma_start3A_435 = arith.constant 0 : i32
      %dma_start3A_436 = tpu.memref_slice %arg4[%add3A_434, %dma_start3A_435] : memref<32768x768xf32, #tpu.memory_space<hbm>> -> memref<16x768xf32, #tpu.memory_space<hbm>>
      %dma_start3A_437 = arith.constant 0 : i32
      %dma_start3A_438 = tpu.memref_slice %arg4[%add3A_434, %dma_start3A_437] : memref<32768x768xf32, #tpu.memory_space<hbm>> -> memref<16x768xf32, #tpu.memory_space<hbm>>
      tpu.enqueue_dma source(%arg9 : memref<16x768xf32, #tpu.memory_space<vmem>>) target(%dma_start3A_438 : memref<16x768xf32, #tpu.memory_space<hbm>>) target_semaphore(%arg25 : memref<!tpu.dma_semaphore, #tpu.memory_space<semaphore_mem>>)
      %add3A_439 = arith.constant 4 : i32
      %add3A_440 = arith.addi %add3A_425, %add3A_439 : i32
      %sub3A_441 = arith.constant 8 : i32
      %sub3A_442 = arith.subi %add3A_440, %sub3A_441 : i32
      %mul3A_443 = arith.constant 16 : i32
      %mul3A_444 = arith.muli %sub3A_442, %mul3A_443 : i32
      %add3A_445 = arith.addi %mul3A_2, %mul3A_444 : i32
      %dma_wait3A_446 = arith.constant 0 : i32
      %dma_wait3A_447 = tpu.memref_slice %arg4[%add3A_445, %dma_wait3A_446] : memref<32768x768xf32, #tpu.memory_space<hbm>> -> memref<16x768xf32, #tpu.memory_space<hbm>>
      %dma_wait3A_448 = arith.constant 0 : i32
      %dma_wait3A_449 = tpu.memref_slice %arg4[%add3A_445, %dma_wait3A_448] : memref<32768x768xf32, #tpu.memory_space<hbm>> -> memref<16x768xf32, #tpu.memory_space<hbm>>
      tpu.wait_dma2 semaphore(%arg29 : memref<!tpu.dma_semaphore, #tpu.memory_space<semaphore_mem>>) src(%arg13 : memref<16x768xf32, #tpu.memory_space<vmem>>) dst(%dma_wait3A_449 : memref<16x768xf32, #tpu.memory_space<hbm>>)
      %add3A_450 = arith.constant 4 : i32
      %add3A_451 = arith.addi %add3A_425, %add3A_450 : i32
      %mul3A_452 = arith.constant 16 : i32
      %mul3A_453 = arith.muli %add3A_451, %mul3A_452 : i32
      %dma_start3A_454 = tpu.memref_slice %arg5[%mul3A_453] : memref<1024xi32, #tpu.memory_space<vmem>> -> memref<16xi32, #tpu.memory_space<vmem>>
      %dma_start3A_455 = arith.constant 0 : i32
      %dma_start3A_456 = arith.constant 0 : i32
      %dma_start3A_457 = tpu.memref_slice %arg2[%dma_start3A_455, %dma_start3A_456] : memref<32768x768xf32, #tpu.memory_space<hbm>> -> memref<32768x768xf32, #tpu.memory_space<hbm>>
      tpu.enqueue_indirect_dma source(%dma_start3A_457 : memref<32768x768xf32, #tpu.memory_space<hbm>>) target(%arg13 : memref<16x768xf32, #tpu.memory_space<vmem>>) offsets(%dma_start3A_454 : memref<16xi32, #tpu.memory_space<vmem>>) semaphore(%arg21 : memref<!tpu.dma_semaphore, #tpu.memory_space<semaphore_mem>>)
    }
    %scan3A_89 = arith.constant 7 : i32
    %dma_wait3A_90 = arith.constant 960 : i32
    %dma_wait3A_91 = tpu.memref_slice %arg5[%dma_wait3A_90] : memref<1024xi32, #tpu.memory_space<vmem>> -> memref<16xi32, #tpu.memory_space<vmem>>
    %dma_wait3A_92 = arith.constant 0 : i32
    %dma_wait3A_93 = arith.constant 0 : i32
    %dma_wait3A_94 = tpu.memref_slice %arg2[%dma_wait3A_92, %dma_wait3A_93] : memref<32768x768xf32, #tpu.memory_space<hbm>> -> memref<32768x768xf32, #tpu.memory_space<hbm>>
    tpu.wait_indirect_dma semaphore(%arg18 : memref<!tpu.dma_semaphore, #tpu.memory_space<semaphore_mem>>) src(%dma_wait3A_94 : memref<32768x768xf32, #tpu.memory_space<hbm>>) dst(%arg10 : memref<16x768xf32, #tpu.memory_space<vmem>>)
    %add3A_95 = arith.constant 960 : i32
    %add3A_96 = arith.addi %mul3A_2, %add3A_95 : i32
    %dma_start3A_97 = arith.constant 0 : i32
    %dma_start3A_98 = tpu.memref_slice %arg4[%add3A_96, %dma_start3A_97] : memref<32768x768xf32, #tpu.memory_space<hbm>> -> memref<16x768xf32, #tpu.memory_space<hbm>>
    %dma_start3A_99 = arith.constant 0 : i32
    %dma_start3A_100 = tpu.memref_slice %arg4[%add3A_96, %dma_start3A_99] : memref<32768x768xf32, #tpu.memory_space<hbm>> -> memref<16x768xf32, #tpu.memory_space<hbm>>
    tpu.enqueue_dma source(%arg10 : memref<16x768xf32, #tpu.memory_space<vmem>>) target(%dma_start3A_100 : memref<16x768xf32, #tpu.memory_space<hbm>>) target_semaphore(%arg26 : memref<!tpu.dma_semaphore, #tpu.memory_space<semaphore_mem>>)
    %dma_wait3A_101 = arith.constant 976 : i32
    %dma_wait3A_102 = tpu.memref_slice %arg5[%dma_wait3A_101] : memref<1024xi32, #tpu.memory_space<vmem>> -> memref<16xi32, #tpu.memory_space<vmem>>
    %dma_wait3A_103 = arith.constant 0 : i32
    %dma_wait3A_104 = arith.constant 0 : i32
    %dma_wait3A_105 = tpu.memref_slice %arg2[%dma_wait3A_103, %dma_wait3A_104] : memref<32768x768xf32, #tpu.memory_space<hbm>> -> memref<32768x768xf32, #tpu.memory_space<hbm>>
    tpu.wait_indirect_dma semaphore(%arg19 : memref<!tpu.dma_semaphore, #tpu.memory_space<semaphore_mem>>) src(%dma_wait3A_105 : memref<32768x768xf32, #tpu.memory_space<hbm>>) dst(%arg11 : memref<16x768xf32, #tpu.memory_space<vmem>>)
    %add3A_106 = arith.constant 976 : i32
    %add3A_107 = arith.addi %mul3A_2, %add3A_106 : i32
    %dma_start3A_108 = arith.constant 0 : i32
    %dma_start3A_109 = tpu.memref_slice %arg4[%add3A_107, %dma_start3A_108] : memref<32768x768xf32, #tpu.memory_space<hbm>> -> memref<16x768xf32, #tpu.memory_space<hbm>>
    %dma_start3A_110 = arith.constant 0 : i32
    %dma_start3A_111 = tpu.memref_slice %arg4[%add3A_107, %dma_start3A_110] : memref<32768x768xf32, #tpu.memory_space<hbm>> -> memref<16x768xf32, #tpu.memory_space<hbm>>
    tpu.enqueue_dma source(%arg11 : memref<16x768xf32, #tpu.memory_space<vmem>>) target(%dma_start3A_111 : memref<16x768xf32, #tpu.memory_space<hbm>>) target_semaphore(%arg27 : memref<!tpu.dma_semaphore, #tpu.memory_space<semaphore_mem>>)
    %dma_wait3A_112 = arith.constant 992 : i32
    %dma_wait3A_113 = tpu.memref_slice %arg5[%dma_wait3A_112] : memref<1024xi32, #tpu.memory_space<vmem>> -> memref<16xi32, #tpu.memory_space<vmem>>
    %dma_wait3A_114 = arith.constant 0 : i32
    %dma_wait3A_115 = arith.constant 0 : i32
    %dma_wait3A_116 = tpu.memref_slice %arg2[%dma_wait3A_114, %dma_wait3A_115] : memref<32768x768xf32, #tpu.memory_space<hbm>> -> memref<32768x768xf32, #tpu.memory_space<hbm>>
    tpu.wait_indirect_dma semaphore(%arg20 : memref<!tpu.dma_semaphore, #tpu.memory_space<semaphore_mem>>) src(%dma_wait3A_116 : memref<32768x768xf32, #tpu.memory_space<hbm>>) dst(%arg12 : memref<16x768xf32, #tpu.memory_space<vmem>>)
    %add3A_117 = arith.constant 992 : i32
    %add3A_118 = arith.addi %mul3A_2, %add3A_117 : i32
    %dma_start3A_119 = arith.constant 0 : i32
    %dma_start3A_120 = tpu.memref_slice %arg4[%add3A_118, %dma_start3A_119] : memref<32768x768xf32, #tpu.memory_space<hbm>> -> memref<16x768xf32, #tpu.memory_space<hbm>>
    %dma_start3A_121 = arith.constant 0 : i32
    %dma_start3A_122 = tpu.memref_slice %arg4[%add3A_118, %dma_start3A_121] : memref<32768x768xf32, #tpu.memory_space<hbm>> -> memref<16x768xf32, #tpu.memory_space<hbm>>
    tpu.enqueue_dma source(%arg12 : memref<16x768xf32, #tpu.memory_space<vmem>>) target(%dma_start3A_122 : memref<16x768xf32, #tpu.memory_space<hbm>>) target_semaphore(%arg28 : memref<!tpu.dma_semaphore, #tpu.memory_space<semaphore_mem>>)
    %dma_wait3A_123 = arith.constant 1008 : i32
    %dma_wait3A_124 = tpu.memref_slice %arg5[%dma_wait3A_123] : memref<1024xi32, #tpu.memory_space<vmem>> -> memref<16xi32, #tpu.memory_space<vmem>>
    %dma_wait3A_125 = arith.constant 0 : i32
    %dma_wait3A_126 = arith.constant 0 : i32
    %dma_wait3A_127 = tpu.memref_slice %arg2[%dma_wait3A_125, %dma_wait3A_126] : memref<32768x768xf32, #tpu.memory_space<hbm>> -> memref<32768x768xf32, #tpu.memory_space<hbm>>
    tpu.wait_indirect_dma semaphore(%arg21 : memref<!tpu.dma_semaphore, #tpu.memory_space<semaphore_mem>>) src(%dma_wait3A_127 : memref<32768x768xf32, #tpu.memory_space<hbm>>) dst(%arg13 : memref<16x768xf32, #tpu.memory_space<vmem>>)
    %add3A_128 = arith.constant 1008 : i32
    %add3A_129 = arith.addi %mul3A_2, %add3A_128 : i32
    %dma_start3A_130 = arith.constant 0 : i32
    %dma_start3A_131 = tpu.memref_slice %arg4[%add3A_129, %dma_start3A_130] : memref<32768x768xf32, #tpu.memory_space<hbm>> -> memref<16x768xf32, #tpu.memory_space<hbm>>
    %dma_start3A_132 = arith.constant 0 : i32
    %dma_start3A_133 = tpu.memref_slice %arg4[%add3A_129, %dma_start3A_132] : memref<32768x768xf32, #tpu.memory_space<hbm>> -> memref<16x768xf32, #tpu.memory_space<hbm>>
    tpu.enqueue_dma source(%arg13 : memref<16x768xf32, #tpu.memory_space<vmem>>) target(%dma_start3A_133 : memref<16x768xf32, #tpu.memory_space<hbm>>) target_semaphore(%arg29 : memref<!tpu.dma_semaphore, #tpu.memory_space<semaphore_mem>>)
    %add3A_134 = arith.constant 896 : i32
    %add3A_135 = arith.addi %mul3A_2, %add3A_134 : i32
    %dma_wait3A_136 = arith.constant 0 : i32
    %dma_wait3A_137 = tpu.memref_slice %arg4[%add3A_135, %dma_wait3A_136] : memref<32768x768xf32, #tpu.memory_space<hbm>> -> memref<16x768xf32, #tpu.memory_space<hbm>>
    %dma_wait3A_138 = arith.constant 0 : i32
    %dma_wait3A_139 = tpu.memref_slice %arg4[%add3A_135, %dma_wait3A_138] : memref<32768x768xf32, #tpu.memory_space<hbm>> -> memref<16x768xf32, #tpu.memory_space<hbm>>
    tpu.wait_dma2 semaphore(%arg22 : memref<!tpu.dma_semaphore, #tpu.memory_space<semaphore_mem>>) src(%arg6 : memref<16x768xf32, #tpu.memory_space<vmem>>) dst(%dma_wait3A_139 : memref<16x768xf32, #tpu.memory_space<hbm>>)
    %add3A_140 = arith.constant 912 : i32
    %add3A_141 = arith.addi %mul3A_2, %add3A_140 : i32
    %dma_wait3A_142 = arith.constant 0 : i32
    %dma_wait3A_143 = tpu.memref_slice %arg4[%add3A_141, %dma_wait3A_142] : memref<32768x768xf32, #tpu.memory_space<hbm>> -> memref<16x768xf32, #tpu.memory_space<hbm>>
    %dma_wait3A_144 = arith.constant 0 : i32
    %dma_wait3A_145 = tpu.memref_slice %arg4[%add3A_141, %dma_wait3A_144] : memref<32768x768xf32, #tpu.memory_space<hbm>> -> memref<16x768xf32, #tpu.memory_space<hbm>>
    tpu.wait_dma2 semaphore(%arg23 : memref<!tpu.dma_semaphore, #tpu.memory_space<semaphore_mem>>) src(%arg7 : memref<16x768xf32, #tpu.memory_space<vmem>>) dst(%dma_wait3A_145 : memref<16x768xf32, #tpu.memory_space<hbm>>)
    %add3A_146 = arith.constant 928 : i32
    %add3A_147 = arith.addi %mul3A_2, %add3A_146 : i32
    %dma_wait3A_148 = arith.constant 0 : i32
    %dma_wait3A_149 = tpu.memref_slice %arg4[%add3A_147, %dma_wait3A_148] : memref<32768x768xf32, #tpu.memory_space<hbm>> -> memref<16x768xf32, #tpu.memory_space<hbm>>
    %dma_wait3A_150 = arith.constant 0 : i32
    %dma_wait3A_151 = tpu.memref_slice %arg4[%add3A_147, %dma_wait3A_150] : memref<32768x768xf32, #tpu.memory_space<hbm>> -> memref<16x768xf32, #tpu.memory_space<hbm>>
    tpu.wait_dma2 semaphore(%arg24 : memref<!tpu.dma_semaphore, #tpu.memory_space<semaphore_mem>>) src(%arg8 : memref<16x768xf32, #tpu.memory_space<vmem>>) dst(%dma_wait3A_151 : memref<16x768xf32, #tpu.memory_space<hbm>>)
    %add3A_152 = arith.constant 944 : i32
    %add3A_153 = arith.addi %mul3A_2, %add3A_152 : i32
    %dma_wait3A_154 = arith.constant 0 : i32
    %dma_wait3A_155 = tpu.memref_slice %arg4[%add3A_153, %dma_wait3A_154] : memref<32768x768xf32, #tpu.memory_space<hbm>> -> memref<16x768xf32, #tpu.memory_space<hbm>>
    %dma_wait3A_156 = arith.constant 0 : i32
    %dma_wait3A_157 = tpu.memref_slice %arg4[%add3A_153, %dma_wait3A_156] : memref<32768x768xf32, #tpu.memory_space<hbm>> -> memref<16x768xf32, #tpu.memory_space<hbm>>
    tpu.wait_dma2 semaphore(%arg25 : memref<!tpu.dma_semaphore, #tpu.memory_space<semaphore_mem>>) src(%arg9 : memref<16x768xf32, #tpu.memory_space<vmem>>) dst(%dma_wait3A_157 : memref<16x768xf32, #tpu.memory_space<hbm>>)
    %add3A_158 = arith.constant 960 : i32
    %add3A_159 = arith.addi %mul3A_2, %add3A_158 : i32
    %dma_wait3A_160 = arith.constant 0 : i32
    %dma_wait3A_161 = tpu.memref_slice %arg4[%add3A_159, %dma_wait3A_160] : memref<32768x768xf32, #tpu.memory_space<hbm>> -> memref<16x768xf32, #tpu.memory_space<hbm>>
    %dma_wait3A_162 = arith.constant 0 : i32
    %dma_wait3A_163 = tpu.memref_slice %arg4[%add3A_159, %dma_wait3A_162] : memref<32768x768xf32, #tpu.memory_space<hbm>> -> memref<16x768xf32, #tpu.memory_space<hbm>>
    tpu.wait_dma2 semaphore(%arg26 : memref<!tpu.dma_semaphore, #tpu.memory_space<semaphore_mem>>) src(%arg10 : memref<16x768xf32, #tpu.memory_space<vmem>>) dst(%dma_wait3A_163 : memref<16x768xf32, #tpu.memory_space<hbm>>)
    %add3A_164 = arith.constant 976 : i32
    %add3A_165 = arith.addi %mul3A_2, %add3A_164 : i32
    %dma_wait3A_166 = arith.constant 0 : i32
    %dma_wait3A_167 = tpu.memref_slice %arg4[%add3A_165, %dma_wait3A_166] : memref<32768x768xf32, #tpu.memory_space<hbm>> -> memref<16x768xf32, #tpu.memory_space<hbm>>
    %dma_wait3A_168 = arith.constant 0 : i32
    %dma_wait3A_169 = tpu.memref_slice %arg4[%add3A_165, %dma_wait3A_168] : memref<32768x768xf32, #tpu.memory_space<hbm>> -> memref<16x768xf32, #tpu.memory_space<hbm>>
    tpu.wait_dma2 semaphore(%arg27 : memref<!tpu.dma_semaphore, #tpu.memory_space<semaphore_mem>>) src(%arg11 : memref<16x768xf32, #tpu.memory_space<vmem>>) dst(%dma_wait3A_169 : memref<16x768xf32, #tpu.memory_space<hbm>>)
    %add3A_170 = arith.constant 992 : i32
    %add3A_171 = arith.addi %mul3A_2, %add3A_170 : i32
    %dma_wait3A_172 = arith.constant 0 : i32
    %dma_wait3A_173 = tpu.memref_slice %arg4[%add3A_171, %dma_wait3A_172] : memref<32768x768xf32, #tpu.memory_space<hbm>> -> memref<16x768xf32, #tpu.memory_space<hbm>>
    %dma_wait3A_174 = arith.constant 0 : i32
    %dma_wait3A_175 = tpu.memref_slice %arg4[%add3A_171, %dma_wait3A_174] : memref<32768x768xf32, #tpu.memory_space<hbm>> -> memref<16x768xf32, #tpu.memory_space<hbm>>
    tpu.wait_dma2 semaphore(%arg28 : memref<!tpu.dma_semaphore, #tpu.memory_space<semaphore_mem>>) src(%arg12 : memref<16x768xf32, #tpu.memory_space<vmem>>) dst(%dma_wait3A_175 : memref<16x768xf32, #tpu.memory_space<hbm>>)
    %add3A_176 = arith.constant 1008 : i32
    %add3A_177 = arith.addi %mul3A_2, %add3A_176 : i32
    %dma_wait3A_178 = arith.constant 0 : i32
    %dma_wait3A_179 = tpu.memref_slice %arg4[%add3A_177, %dma_wait3A_178] : memref<32768x768xf32, #tpu.memory_space<hbm>> -> memref<16x768xf32, #tpu.memory_space<hbm>>
    %dma_wait3A_180 = arith.constant 0 : i32
    %dma_wait3A_181 = tpu.memref_slice %arg4[%add3A_177, %dma_wait3A_180] : memref<32768x768xf32, #tpu.memory_space<hbm>> -> memref<16x768xf32, #tpu.memory_space<hbm>>
    tpu.wait_dma2 semaphore(%arg29 : memref<!tpu.dma_semaphore, #tpu.memory_space<semaphore_mem>>) src(%arg13 : memref<16x768xf32, #tpu.memory_space<vmem>>) dst(%dma_wait3A_181 : memref<16x768xf32, #tpu.memory_space<hbm>>)
    return
  }
}

</mosaic_0001>

<sc_bundles>
// kernel: kernel.3.cloned.1.call-start
scs
__scs_entry_jumppad:
0x0: {  	(pc) =	sbr.rel $0x88, $3  }
0x1: {  	(tag) =	ssettag $0x0;
	lr =	simm.s32 $0x1  }
0x2: {  	[smem:$0x3F9F] =	sst lr;
	_ =	strace $0xD0000000  }
0x3: {  	_ = 	snop  }
0x4: {  	_ = 	snop  }
0x5: {  	_ = 	snop  }
0x6: {  	_ = 	snop  }
0x7: {  	_ = 	snop  }
__scs_overlays_trampoline_lowered:
0x8: {  	[smem:$0x3FAE] =	sst s0  }
0x9: {  	[smem:$0x3FAF] =	sst s1  }
0xa: {  	[smem:$0x3FB0] =	sst s2  }
0xb: {  	[smem:$0x3FB1] =	sst s3  }
0xc: {  	[smem:$0x3FB2] =	sst s4  }
0xd: {  	[smem:$0x3FB3] =	sst s5  }
0xe: {  	[smem:$0x3FB4] =	sst s6  }
0xf: {  	[smem:$0x3FB5] =	sst s7  }
0x10: {  	[smem:$0x3FB6] =	sst s8  }
0x11: {  	[smem:$0x3FB7] =	sst s9;
	s0 =	simm.s32 @!p0 $0x0  }
0x12: {  	s1 =	sld [smem:$0x3F9D];
	s0 =	simm.s32 @p0 $0x1  }
0x13: {  	[smem:$0x3FB8] =	sst s0;
	s0 =	simm.s32 @!p1 $0x0  }
0x14: {  	s2 =	sld [smem:$0x3F9C];
	s0 =	simm.s32 @p1 $0x1  }
0x15: {  	[smem:$0x3FB9] =	sst s0;
	s0 =	simm.s32 @!p2 $0x0  }
0x16: {  	s3 =	sld [smem:$0x3FDB];
	s0 =	simm.s32 @p2 $0x1  }
0x17: {  	s4 =	simm.s32 $0x1BF5;
	[smem:$0x3FBB] =	sst s0  }
0x18: {  	s0 =	sld [smem:$0x3F9E];
	_ =	swait.ge [sflag:s4], $0x0  }
0x19: {  	s7 =	sld [smem:$0x3F9F]  }
0x1a: {  	s8 =	sadd.s32 $0xFFFFE003, lr  }
0x1b: {  	s9 =	sadd.s32 $0xFFFFFEF7, lr;
	s5 =	simm.s32 $0xFFFFFFFF;
	p2 =	slt.u32 s8, $0xFFFFF086  }
0x1c: {  	p1 =	slt.u32 s9, $0xF7A;
	s5 =	simm.s32 @!p2 $0x0  }
0x1d: {  	s5 =	simm.s32 @p1 $0x1;
	p0 =	seq.s32 s7, s2  }
0x1e: {  	s7 =	smul.u32 @!p0 $0xF7A, s2;
	p2 =	seq.s32 @!p0 s5, $0x0  }
0x1f: {  	s9 =	smul.u32 $0xF7A, s1;
	s8 =	simm.s32 @!p0 $0x1BF5;
	p2 =	por !p2, p0  }
0x20: {  	[sflag:s8] =	ssyncset.s32 @!p0 $0xFFFFF086;
	s6 =	sadd.s32 @!p0 s3, s7;
	s7 =	simm.s32 @!p0 $0x108  }
0x21: {  	s3 =	sadd.s32 s3, s9;
	s6 =	sadd.s32 @!p0 $0x88, s6;
	s7 =	simm.s32 @p2 $0x1082  }
0x22: {  	[simem:s7], [sflag:s8] =	dma.local @!p0 [hbm:s6], $0xF7A  }
0x23: {  	s9 =	sor.u32 $0xD0000000, s2;
	s6 =	simm.s32 $0x108;
	_ =	swait.ge @!p0 [sflag:s8], $0x0  }
0x24: {  	s3 =	sadd.s32 $0x88, s3;
	s6 =	simm.s32 @!p1 $0x1082;
	[sflag:s4] =	ssyncset.s32 $0xFFFFF086  }
0x25: {  	[simem:s6], [sflag:s4] =	dma.local [hbm:s3], $0xF7A  }
0x26: {  	[smem:$0x3F9F] =	sst s1;
	(tag) =	ssettag s2;
	_ =	strace s9  }
0x27: {  	s1 =	sld [smem:$0x3FAF]  }
0x28: {  	s2 =	sld [smem:$0x3FB0]  }
0x29: {  	s4 =	sld [smem:$0x3FB2]  }
0x2a: {  	p0 =	seq.s32 s5, $0x0;
	s5 =	sld [smem:$0x3FB3]  }
0x2b: {  	s6 =	sld [smem:$0x3FB4]  }
0x2c: {  	s7 =	sld [smem:$0x3FB5]  }
0x2d: {  	s3 =	simm.s32 $0x108;
	s8 =	sld [smem:$0x3FB6]  }
0x2e: {  	s3 =	simm.s32 @!p0 $0x1082;
	s9 =	sld [smem:$0x3FB7]  }
0x2f: {  	lr =	sadd.s32 s0, s3;
	s0 =	sld [smem:$0x3FAE]  }
0x30: {  	s3 =	sld [smem:$0x3FB1]  }
0x31: {  	[smem:$0x3FBA] =	sst s10  }
0x32: {  	s10 =	sld [smem:$0x3FB8];
	_ =	sdelay $0x3  }
0x33: {  	p0 =	seq.s32 s10, $0x1;
	s10 =	sld [smem:$0x3FBA];
	_ =	sdelay $0x3  }
0x34: {  	[smem:$0x3FBA] =	sst s10  }
0x35: {  	s10 =	sld [smem:$0x3FB9];
	_ =	sdelay $0x3  }
0x36: {  	p1 =	seq.s32 s10, $0x1;
	s10 =	sld [smem:$0x3FBA];
	_ =	sdelay $0x3  }
0x37: {  	[smem:$0x3FBA] =	sst s10  }
0x38: {  	s10 =	sld [smem:$0x3FBB]  }
0x39: {  	_ = 	snop;
	(pc) =	sbr.ind lr, $3  }
0x3a: {  	_ = 	snop  }
0x3b: {  	_ = 	snop  }
0x3c: {  	p2 =	seq.s32 s10, $0x1;
	s10 =	sld [smem:$0x3FBA]  }
0x3d: {  	_ =	shalt  }
0x3e: {  	_ =	shalt  }
0x3f: {  	_ =	shalt  }
0x40: {  	_ =	shalt  }
0x41: {  	_ =	shalt  }
0x42: {  	_ =	shalt  }
0x43: {  	_ =	shalt  }
0x44: {  	_ =	shalt  }
0x45: {  	_ =	shalt  }
0x46: {  	_ =	shalt  }
0x47: {  	_ =	shalt  }
0x48: {  	_ =	shalt  }
0x49: {  	_ =	shalt  }
0x4a: {  	_ =	shalt  }
0x4b: {  	_ =	shalt  }
0x4c: {  	_ =	shalt  }
0x4d: {  	_ =	shalt  }
0x4e: {  	_ =	shalt  }
0x4f: {  	_ =	shalt  }
0x50: {  	_ =	shalt  }
0x51: {  	_ =	shalt  }
0x52: {  	_ =	shalt  }
0x53: {  	_ =	shalt  }
0x54: {  	_ =	shalt  }
0x55: {  	_ =	shalt  }
0x56: {  	_ =	shalt  }
0x57: {  	_ =	shalt  }
0x58: {  	_ =	shalt  }
0x59: {  	_ =	shalt  }
0x5a: {  	_ =	shalt  }
0x5b: {  	_ =	shalt  }
0x5c: {  	_ =	shalt  }
0x5d: {  	_ =	shalt  }
0x5e: {  	_ =	shalt  }
0x5f: {  	_ =	shalt  }
0x60: {  	_ =	shalt  }
0x61: {  	_ =	shalt  }
0x62: {  	_ =	shalt  }
0x63: {  	_ =	shalt  }
0x64: {  	_ =	shalt  }
0x65: {  	_ =	shalt  }
0x66: {  	_ =	shalt  }
0x67: {  	_ =	shalt  }
0x68: {  	_ =	shalt  }
0x69: {  	_ =	shalt  }
0x6a: {  	_ =	shalt  }
0x6b: {  	_ =	shalt  }
0x6c: {  	_ =	shalt  }
0x6d: {  	_ =	shalt  }
0x6e: {  	_ =	shalt  }
0x6f: {  	_ =	shalt  }
0x70: {  	_ =	shalt  }
0x71: {  	_ =	shalt  }
0x72: {  	_ =	shalt  }
0x73: {  	_ =	shalt  }
0x74: {  	_ =	shalt  }
0x75: {  	_ =	shalt  }
0x76: {  	_ =	shalt  }
0x77: {  	_ =	shalt  }
0x78: {  	_ =	shalt  }
0x79: {  	_ =	shalt  }
0x7a: {  	_ =	shalt  }
0x7b: {  	_ =	shalt  }
0x7c: {  	_ =	shalt  }
0x7d: {  	_ =	shalt  }
0x7e: {  	_ =	shalt  }
0x7f: {  	_ =	shalt  }
0x80: {  	_ =	shalt  }
0x81: {  	_ =	shalt  }
0x82: {  	_ =	shalt  }
0x83: {  	_ =	shalt  }
0x84: {  	_ =	shalt  }
0x85: {  	_ =	shalt  }
0x86: {  	_ =	shalt  }
0x87: {  	_ =	shalt  }
.Lfunc_end0:
.L_simem_size_0:
called_computation_lowered:
.L_overlay_start_0:
0x88: {  	s2 =	sld [smem:$0x3FD9]  }
0x89: {  	s3 =	sld [smem:$0x3FFE];
	_ =	sdelay $0x1  }
0x8a: {  	s1 =	srdreg.scid  }
0x8b: {  	s0 =	sand.u32 $0x1, s1  }
0x8c: {  	s17 =	sshll.u32 s0, $0xA;
	s2 =	sadd.s32 s3, s2  }
0x8d: {  	s2 =	sadd.s32 s2, s17  }
0x8e: {  	[smem:$0x3FC6] =	sst s2  }
0x8f: {  	_ = 	snop  }
0x90: {  	s2 =	sld [smem:$0x3FC9]  }
0x91: {  	s18 =	sld [smem:$0x3FD0];
	(tm) =	ssettm $0x1  }
0x92: {  	s4 =	sld [smem:$0x3FFB];
	_ =	sdelay $0x3  }
0x93: {  	_ =	strace s4  }
0x94: {  	s4 =	sld [smem:$0x3FFC];
	_ =	sdelay $0x3  }
0x95: {  	_ =	strace s4  }
0x96: {  	s4 =	sld [smem:$0x3FFD];
	_ =	sdelay $0x3  }
0x97: {  	_ =	strace s4  }
0x98: {  	_ =	strace $0x8FFFFFFF  }
0x99: {  	s19 =	sld [smem:$0x3FDB];
	_ =	sdelay $0x1  }
0x9a: {  	s5 =	simm.s32 $_scs_section_size  }
0x9b: {  	s6 =	simm.s32 $_size__tile_overlayer_lowered;
	s7 =	simm.s32 $_tile_overlayer_lowered  }
0x9c: {  	s22 =	simm.s32 $0x1BFF;
	s21 =	sshll.u32 s7, $0x1;
	s4 =	sadd.s32 s5, s19  }
0x9d: {  	s8 =	simm.s32 $0x0;
	s20 =	sshll.u32 s6, $0x1;
	s6 =	sadd.s32 s21, s4  }
0x9e: {  	[timem:s8], [sflag:s22] =	dma.local [hbm:s6], s20  }
0x9f: {  	_ =	swait.ge [sflag:s22], s20  }
0xa0: {  	s5 =	ssub.s32 $0x0, s20;
	[sflag:s22] =	ssyncset.done $0x0  }
0xa1: {  	[sflag:s22] =	ssyncadd.s32 s5;
	_ =	sdelay $0x1  }
0xa2: {  	s23 =	simm.s32 $0x1B8B  }
0xa3: {  	_ =	swait.ge [sflag:s23], $0x1  }
0xa4: {  	[sflag:s23] =	ssyncset.done $0x0  }
0xa5: {  	s25 =	simm.s32 $0x1B8E;
	s24 =	sld [smem:$0x3FFE];
	[sflag:s23] =	ssyncadd.s32 $0xFFFFFFFF  }
0xa6: {  	s26 =	simm.s32 $execute0_lowered;
	[smem:$0x3FD2] =	sst s25  }
0xa7: {  	s6 =	sshll.u32 s26, $0x1;
	_ =	strace $0x80000046;
	[dreg:$0x1] =	wrdreg $0xFFFFFFFF  }
0xa8: {  	s28 =	simm.s32 $_size_execute0_lowered;
	s4 =	sadd.s32 s4, s6;
	[dreg:$0x0] =	wrdreg $0x0  }
0xa9: {  	s6 =	sshll.u32 s28, $0x1;
	[dreg:$0x2] =	wrdreg s4  }
0xaa: {  	[dreg:$0x3] =	wrdreg s6  }
0xab: {  	[dreg:$0x4] =	wrdreg $0xC0  }
0xac: {  	_ =	task [dreg:s8], $0x5FFFF  }
0xad: {  	[dreg:$0x1] =	wrdreg $0xFFFFFFFF  }
0xae: {  	[dreg:$0x0] =	wrdreg $0x60  }
0xaf: {  	[dreg:$0x2] =	wrdreg s2  }
0xb0: {  	[dreg:$0x3] =	wrdreg s24  }
0xb1: {  	[dreg:$0x4] =	wrdreg s18  }
0xb2: {  	[dreg:$0x5] =	wrdreg $0x9  }
0xb3: {  	_ =	task.clear_ibuf [dreg:s8], $0x6FFFF;
	_ =	strace $0x90000046  }
0xb4: {  	s29 =	simm.s32 $0x9;
	_ =	strace $0x80000048  }
0xb5: {  	_ =	swait.ge [sflag:s29], $0x1  }
0xb6: {  	[sflag:s29] =	ssyncadd.s32 $0xFFFFFFFF  }
0xb7: {  	_ =	strace $0x90000048  }
0xb8: {  	_ =	sfence  }
0xb9: {  	s30 =	sld [smem:$0x0];
	_ =	sdelay $0x2  }
0xba: {  	s31 =	sshll.u32 s1, $0xD;
	s1 =	sshrl.u32 s1, $0x2  }
0xbb: {  	s3 =	sand.u32 $0x4000, s31;
	s1 =	sadd.s32 s1, s30  }
0xbc: {  	s0 =	sor.u32 s3, s0;
	s1 =	sshll.u32 s1, $0x11  }
0xbd: {  	s0 =	sor.u32 s1, s0  }
0xbe: {  	s0 =	sadd.s32 $0x8F2B, s0  }
0xbf: {  	[sflag:s0] =	ssyncadd.remote.s32 $0x1  }
0xc0: {  	_ =	sfence.sel $0xFFFF  }
0xc1: {  	[dreg:$0x0] =	wrdreg $0xFFFFFFFF;
	(pc) =	sbr.abs _section_cstart, $3  }
0xc2: {  	[dreg:$0x1] =	wrdreg $0xFFFFFFFF  }
0xc3: {  	_ =	task.clear_ibuf [dreg:s8], $0x2FFFF;
	_ =	strace $0x9FFFFFFF  }
0xc4: {  	(tm) =	ssettm $0x7FFFFFFF  }
0xc5: {  	_ =	shalt  }
tec
execute0_lowered:
.L_overlay_start_1:
0x0: {  	(tag) =	ssettag $0x1  }
0x1: {  	s1 =	rddreg [dreg:$0x0];
	s0 =	srdreg.scid  }
0x2: {  	s2 =	rddreg [dreg:$0x1];
	s3 =	stileid.u32  }
0x3: {  	s4 =	rddreg [dreg:$0x2];
	s15 =	simm.s32 $0xC00;
	s16 =	simm.s32 $0x1400  }
0x4: {  	s30 =	simm.s32 $0x2400;
	s14 =	simm.s32 $0x3;
	s28 =	simm.s32 $0x5  }
0x5: {  	s29 =	simm.s32 $0x9;
	s31 =	simm.s32 $0x6;
	s11 =	simm.s32 $0x8  }
0x6: {  	s12 =	simm.s32 $0xC;
	s13 =	simm.s32 $0xD;
	s0 =	sand.u32 $0x1, s0  }
0x7: {  	s5 =	sshll.u32 s3, $0xB;
	s3 =	simm.s32 $0x0;
	s6 =	sshll.u32 s0, $0xA  }
0x8: {  	[smem:$0x7FF] =	sst s3;
	s0 =	ssub.s32 $0x2, s0;
	s7 =	sor.u32 s6, s5  }
0x9: {  	_ =	strace $0x80000047;
	s17 =	sshrl.u32 s0, $0x1;
	s6 =	sadd.s32 $0x200, s1  }
0xa: {  	s5 =	sshrl.u32 s7, $0x3;
	s0 =	ssub.s32 s0, s17;
	s21 =	sor.u32 $0x80, s7  }
0xb: {  	s22 =	sor.u32 $0x90, s7;
	s10 =	sor.u32 $0xA0, s7;
	s8 =	smul.u32 $0x300, s5  }
0xc: {  	s7 =	sor.u32 $0xB0, s7;
	s2 =	sadd.s32 s2, s5;
	s18 =	smul.u32 $0x1800, s5  }
0xd: {  	s5 =	sadd.s32 $0x100, s1;
	s10 =	sshrl.u32 s10, $0x3;
	s7 =	sshrl.u32 s7, $0x3  }
0xe: {  	s0 =	smax.u32 s0, $0x1;
	[dreg:$0x8] =	wrdreg s2;
	s10 =	smul.u32 $0x300, s10  }
0xf: {  	s7 =	smul.u32 $0x300, s7;
	[dreg:$0x10] =	wrdreg s0;
	s17 =	sadd.s32 s8, s4  }
0x10: {  	s0 =	simm.s32 $0x2;
	s2 =	sshrl.u32 s18, $0x3;
	s8 =	sadd.s32 $0x600, s17  }
0x11: {  	s18 =	simm.s32 $0x12400;
	s19 =	sadd.s32 $0xC00, s17;
	[dreg:$0x9] =	wrdreg s8  }
0x12: {  	s20 =	sadd.s32 $0x1200, s17;
	s2 =	sadd.s32 s4, s2;
	[dreg:$0xa] =	wrdreg s19  }
0x13: {  	s25 =	sadd.s32 s10, s4;
	s10 =	simm.s32 $0xB;
	[dreg:$0xb] =	wrdreg s20  }
0x14: {  	s9 =	sadd.s32 $0x16800, s2;
	s8 =	sshrl.u32 s21, $0x3;
	s24 =	sadd.s32 $0x16E00, s2  }
0x15: {  	s26 =	sadd.s32 $0x17400, s2;
	[dreg:$0x6] =	wrdreg s25;
	s2 =	sadd.s32 $0x17A00, s2  }
0x16: {  	s25 =	simm.s32 $0xF400;
	s19 =	simm.s32 $0xE;
	[dreg:$0xc] =	wrdreg s9  }
0x17: {  	s20 =	simm.s32 $0xF;
	s21 =	simm.s32 $0x10;
	[dreg:$0xd] =	wrdreg s24  }
0x18: {  	s8 =	smul.u32 $0x300, s8;
	s9 =	sshrl.u32 s22, $0x3;
	[dreg:$0xe] =	wrdreg s26  }
0x19: {  	[dreg:$0xf] =	wrdreg s2;
	s22 =	simm.s32 $0x400;
	s9 =	smul.u32 $0x300, s9  }
0x1a: {  	s26 =	simm.s32 $0x2C00;
	s24 =	simm.s32 $0x4;
	s8 =	sadd.s32 s8, s4  }
0x1b: {  	s2 =	simm.s32 $0xA;
	[dreg:$0x4] =	wrdreg s8;
	s23 =	sadd.s32 s9, s4  }
0x1c: {  	v2 =	vlaneseq.u32;
	s4 =	sadd.s32 s7, s4;
	s9 =	simm.s32 $0x15400;
	[dreg:$0x5] =	wrdreg s23  }
0x1d: {  	vm0 =	vmmov $0xffff;
	v1 =	vshrl.u32 v2, $0x3;
	s8 =	simm.s32 $0x7;
	s7 =	simm.s32 $0x0;
	[dreg:$0x7] =	wrdreg s4  }
0x1e: {  	v0 =	vand.u32 $0x7, v2;
	v2 =	vor.u32 $0x8, v2;
	v1 =	vmul.u32 $0x8, v1;
	s4 =	simm.s32 $0x1C00;
	s23 =	simm.s32 $0xC400;
	[dreg:$0x11] =	wrdreg s7  }
.LBB2_1:
0x1f: {  	s7 =	rddreg [dreg:$0x8]  }
0x20: {  	[tilespmem:s3], [sflag:$0x11] =	stream.linear.gather [hbm4b:s7+s3], $0x400, $0x38;
	[tilespmem:$0x18400] =	vst v63  }
0x21: {  	s7 =	simm.s32 $0x11  }
0x22: {  	_ =	swait.ge [sflag:s7], $0x400  }
0x23: {  	[sflag:s7] =	ssyncset.done $0x0  }
0x24: {  	[sflag:s7] =	ssyncadd.s32 $0xFFFFFC00  }
0x25: {  	v3 =	vld [tilespmem:$0x0];
	_ =	sdelay $0x4  }
0x26: {  	v4 =	vshrl.u32 v3, $0x3  }
0x27: {  	v4 =	vmul.u32 $0x30, v4  }
0x28: {  	v3 =	vand.u32 $0x7, v3  }
0x29: {  	v3 =	vor.u32 v3, v4  }
0x2a: {  	v4 =	vperm.xlane v3, v0;
	_ =	sdelay $0x1  }
0x2b: {  	v4 =	vadd.s32 v1, v4;
	_ =	sdelay $0x3  }
0x2c: {  	v3 =	vperm.xlane v3, v2  }
0x2d: {  	[tilespmem:s22], [sflag:$0x1] =	stream.indirect_vreg.gather [hbm4b:s1+s3], $0x80, v4, vm0, $0xb8;
	[tilespmem:$0x18400] =	vst v63  }
0x2e: {  	v3 =	vadd.s32 v1, v3  }
0x2f: {  	[tilespmem:s15], [sflag:$0x1] =	stream.indirect_vreg.gather [hbm4b:s5+s3], $0x80, v4, vm0, $0xb8;
	[tilespmem:$0x18400] =	vst v63  }
0x30: {  	_ = 	snop  }
0x31: {  	[tilespmem:s16], [sflag:$0x1] =	stream.indirect_vreg.gather [hbm4b:s6+s3], $0x80, v4, vm0, $0xb8;
	[tilespmem:$0x18400] =	vst v63  }
0x32: {  	_ = 	snop  }
0x33: {  	[tilespmem:s4], [sflag:$0x1] =	stream.indirect_vreg.gather [hbm4b:s1+s3], $0x80, v3, vm0, $0xb8;
	[tilespmem:$0x18400] =	vst v63  }
0x34: {  	_ = 	snop  }
0x35: {  	[tilespmem:s30], [sflag:$0x1] =	stream.indirect_vreg.gather [hbm4b:s5+s3], $0x80, v3, vm0, $0xb8;
	[tilespmem:$0x18400] =	vst v63  }
0x36: {  	_ = 	snop  }
0x37: {  	[tilespmem:s26], [sflag:$0x1] =	stream.indirect_vreg.gather [hbm4b:s6+s3], $0x80, v3, vm0, $0xb8;
	[tilespmem:$0x18400] =	vst v63  }
0x38: {  	v3 =	vld [tilespmem:$0x10];
	_ =	sdelay $0x4  }
0x39: {  	v57 =	vshrl.u32 v3, $0x3  }
0x3a: {  	v4 =	vmul.u32 $0x30, v57  }
0x3b: {  	v3 =	vand.u32 $0x7, v3  }
0x3c: {  	v3 =	vor.u32 v3, v4  }
0x3d: {  	v4 =	vperm.xlane v3, v0;
	_ =	sdelay $0x1  }
0x3e: {  	v4 =	vadd.s32 v1, v4;
	_ =	sdelay $0x3  }
0x3f: {  	s26 =	simm.s32 $0x3400;
	v3 =	vperm.xlane v3, v2  }
0x40: {  	[tilespmem:s26], [sflag:$0x2] =	stream.indirect_vreg.gather [hbm4b:s1+s3], $0x80, v4, vm0, $0xb8;
	[tilespmem:$0x18400] =	vst v63  }
0x41: {  	s7 =	simm.s32 $0x3C00;
	v3 =	vadd.s32 v1, v3  }
0x42: {  	[tilespmem:s7], [sflag:$0x2] =	stream.indirect_vreg.gather [hbm4b:s5+s3], $0x80, v4, vm0, $0xb8;
	[tilespmem:$0x18400] =	vst v63  }
0x43: {  	s15 =	simm.s32 $0x4400  }
0x44: {  	[tilespmem:s15], [sflag:$0x2] =	stream.indirect_vreg.gather [hbm4b:s6+s3], $0x80, v4, vm0, $0xb8;
	[tilespmem:$0x18400] =	vst v63  }
0x45: {  	s16 =	simm.s32 $0x4C00  }
0x46: {  	[tilespmem:s16], [sflag:$0x2] =	stream.indirect_vreg.gather [hbm4b:s1+s3], $0x80, v3, vm0, $0xb8;
	[tilespmem:$0x18400] =	vst v63  }
0x47: {  	s7 =	simm.s32 $0x5400  }
0x48: {  	[tilespmem:s7], [sflag:$0x2] =	stream.indirect_vreg.gather [hbm4b:s5+s3], $0x80, v3, vm0, $0xb8;
	[tilespmem:$0x18400] =	vst v63  }
0x49: {  	s15 =	simm.s32 $0x5C00  }
0x4a: {  	[tilespmem:s15], [sflag:$0x2] =	stream.indirect_vreg.gather [hbm4b:s6+s3], $0x80, v3, vm0, $0xb8;
	[tilespmem:$0x18400] =	vst v63  }
0x4b: {  	v3 =	vld [tilespmem:$0x20];
	_ =	sdelay $0x4  }
0x4c: {  	v58 =	vshrl.u32 v3, $0x3  }
0x4d: {  	v4 =	vmul.u32 $0x30, v58  }
0x4e: {  	v3 =	vand.u32 $0x7, v3  }
0x4f: {  	v3 =	vor.u32 v3, v4  }
0x50: {  	v4 =	vperm.xlane v3, v0;
	_ =	sdelay $0x1  }
0x51: {  	v4 =	vadd.s32 v1, v4;
	_ =	sdelay $0x3  }
0x52: {  	s15 =	simm.s32 $0x6400;
	v3 =	vperm.xlane v3, v2  }
0x53: {  	[tilespmem:s15], [sflag:$0x3] =	stream.indirect_vreg.gather [hbm4b:s1+s3], $0x80, v4, vm0, $0xb8;
	[tilespmem:$0x18400] =	vst v63  }
0x54: {  	s16 =	simm.s32 $0x6C00;
	v3 =	vadd.s32 v1, v3  }
0x55: {  	[tilespmem:s16], [sflag:$0x3] =	stream.indirect_vreg.gather [hbm4b:s5+s3], $0x80, v4, vm0, $0xb8;
	[tilespmem:$0x18400] =	vst v63  }
0x56: {  	s7 =	simm.s32 $0x7400  }
0x57: {  	[tilespmem:s7], [sflag:$0x3] =	stream.indirect_vreg.gather [hbm4b:s6+s3], $0x80, v4, vm0, $0xb8;
	[tilespmem:$0x18400] =	vst v63  }
0x58: {  	s16 =	simm.s32 $0x7C00  }
0x59: {  	[tilespmem:s16], [sflag:$0x3] =	stream.indirect_vreg.gather [hbm4b:s1+s3], $0x80, v3, vm0, $0xb8;
	[tilespmem:$0x18400] =	vst v63  }
0x5a: {  	s7 =	simm.s32 $0x8400  }
0x5b: {  	[tilespmem:s7], [sflag:$0x3] =	stream.indirect_vreg.gather [hbm4b:s5+s3], $0x80, v3, vm0, $0xb8;
	[tilespmem:$0x18400] =	vst v63  }
0x5c: {  	s16 =	simm.s32 $0x8C00  }
0x5d: {  	[tilespmem:s16], [sflag:$0x3] =	stream.indirect_vreg.gather [hbm4b:s6+s3], $0x80, v3, vm0, $0xb8;
	[tilespmem:$0x18400] =	vst v63  }
0x5e: {  	v3 =	vld [tilespmem:$0x30];
	_ =	sdelay $0x4  }
0x5f: {  	v59 =	vshrl.u32 v3, $0x3  }
0x60: {  	v4 =	vmul.u32 $0x30, v59  }
0x61: {  	v3 =	vand.u32 $0x7, v3  }
0x62: {  	v3 =	vor.u32 v3, v4  }
0x63: {  	v4 =	vperm.xlane v3, v0;
	_ =	sdelay $0x1  }
0x64: {  	v4 =	vadd.s32 v1, v4;
	_ =	sdelay $0x3  }
0x65: {  	s16 =	simm.s32 $0x9400;
	v3 =	vperm.xlane v3, v2  }
0x66: {  	[tilespmem:s16], [sflag:$0x4] =	stream.indirect_vreg.gather [hbm4b:s1+s3], $0x80, v4, vm0, $0xb8;
	[tilespmem:$0x18400] =	vst v63  }
0x67: {  	s7 =	simm.s32 $0x9C00;
	v3 =	vadd.s32 v1, v3  }
0x68: {  	[tilespmem:s7], [sflag:$0x4] =	stream.indirect_vreg.gather [hbm4b:s5+s3], $0x80, v4, vm0, $0xb8;
	[tilespmem:$0x18400] =	vst v63  }
0x69: {  	s7 =	simm.s32 $0xA400  }
0x6a: {  	[tilespmem:s7], [sflag:$0x4] =	stream.indirect_vreg.gather [hbm4b:s6+s3], $0x80, v4, vm0, $0xb8;
	[tilespmem:$0x18400] =	vst v63  }
0x6b: {  	s7 =	simm.s32 $0xAC00  }
0x6c: {  	[tilespmem:s7], [sflag:$0x4] =	stream.indirect_vreg.gather [hbm4b:s1+s3], $0x80, v3, vm0, $0xb8;
	[tilespmem:$0x18400] =	vst v63  }
0x6d: {  	s7 =	simm.s32 $0xB400  }
0x6e: {  	[tilespmem:s7], [sflag:$0x4] =	stream.indirect_vreg.gather [hbm4b:s5+s3], $0x80, v3, vm0, $0xb8;
	[tilespmem:$0x18400] =	vst v63  }
0x6f: {  	s4 =	simm.s32 $0x1;
	s7 =	simm.s32 $0xBC00  }
0x70: {  	[tilespmem:s7], [sflag:$0x4] =	stream.indirect_vreg.gather [hbm4b:s6+s3], $0x80, v3, vm0, $0xb8;
	[tilespmem:$0x18400] =	vst v63  }
0x71: {  	_ =	swait.ge [sflag:s4], $0x3000  }
0x72: {  	[sflag:s4] =	ssyncset.done $0x0  }
0x73: {  	[sflag:s4] =	ssyncadd.s32 $0xFFFFD000  }
0x74: {  	[hbm4b:s17+s3] =	stream.linear.scatter [tilespmem:s22], [sflag:$0x9], $0x3000, $0x38;
	[tilespmem:$0x18400] =	vst v63  }
0x75: {  	v3 =	vld [tilespmem:$0x40];
	_ =	sdelay $0x4  }
0x76: {  	v60 =	vshrl.u32 v3, $0x3  }
0x77: {  	v4 =	vmul.u32 $0x30, v60  }
0x78: {  	v3 =	vand.u32 $0x7, v3  }
0x79: {  	v3 =	vor.u32 v3, v4  }
0x7a: {  	v4 =	vperm.xlane v3, v0;
	_ =	sdelay $0x1  }
0x7b: {  	v4 =	vadd.s32 v1, v4;
	_ =	sdelay $0x3  }
0x7c: {  	v3 =	vperm.xlane v3, v2  }
0x7d: {  	[tilespmem:s23], [sflag:$0x5] =	stream.indirect_vreg.gather [hbm4b:s1+s3], $0x80, v4, vm0, $0xb8;
	[tilespmem:$0x18400] =	vst v63  }
0x7e: {  	v3 =	vadd.s32 v1, v3;
	s23 =	simm.s32 $0xCC00  }
0x7f: {  	[tilespmem:s23], [sflag:$0x5] =	stream.indirect_vreg.gather [hbm4b:s5+s3], $0x80, v4, vm0, $0xb8;
	[tilespmem:$0x18400] =	vst v63  }
0x80: {  	s22 =	simm.s32 $0xD400  }
0x81: {  	[tilespmem:s22], [sflag:$0x5] =	stream.indirect_vreg.gather [hbm4b:s6+s3], $0x80, v4, vm0, $0xb8;
	[tilespmem:$0x18400] =	vst v63  }
0x82: {  	s23 =	simm.s32 $0xDC00  }
0x83: {  	[tilespmem:s23], [sflag:$0x5] =	stream.indirect_vreg.gather [hbm4b:s1+s3], $0x80, v3, vm0, $0xb8;
	[tilespmem:$0x18400] =	vst v63  }
0x84: {  	s22 =	simm.s32 $0xE400  }
0x85: {  	[tilespmem:s22], [sflag:$0x5] =	stream.indirect_vreg.gather [hbm4b:s5+s3], $0x80, v3, vm0, $0xb8;
	[tilespmem:$0x18400] =	vst v63  }
0x86: {  	s23 =	simm.s32 $0xEC00  }
0x87: {  	[tilespmem:s23], [sflag:$0x5] =	stream.indirect_vreg.gather [hbm4b:s6+s3], $0x80, v3, vm0, $0xb8;
	[tilespmem:$0x18400] =	vst v63  }
0x88: {  	_ =	swait.ge [sflag:s0], $0x3000  }
0x89: {  	[sflag:s0] =	ssyncset.done $0x0  }
0x8a: {  	s22 =	rddreg [dreg:$0x9];
	[sflag:s0] =	ssyncadd.s32 $0xFFFFD000  }
0x8b: {  	[hbm4b:s22+s3] =	stream.linear.scatter [tilespmem:s26], [sflag:$0xA], $0x3000, $0x38;
	[tilespmem:$0x18400] =	vst v63  }
0x8c: {  	v3 =	vld [tilespmem:$0x50];
	_ =	sdelay $0x4  }
0x8d: {  	v61 =	vshrl.u32 v3, $0x3  }
0x8e: {  	v4 =	vmul.u32 $0x30, v61  }
0x8f: {  	v3 =	vand.u32 $0x7, v3  }
0x90: {  	v3 =	vor.u32 v3, v4  }
0x91: {  	v4 =	vperm.xlane v3, v0;
	_ =	sdelay $0x1  }
0x92: {  	v4 =	vadd.s32 v1, v4;
	_ =	sdelay $0x3  }
0x93: {  	v3 =	vperm.xlane v3, v2  }
0x94: {  	[tilespmem:s25], [sflag:$0x6] =	stream.indirect_vreg.gather [hbm4b:s1+s3], $0x80, v4, vm0, $0xb8;
	[tilespmem:$0x18400] =	vst v63  }
0x95: {  	s23 =	simm.s32 $0xFC00;
	v3 =	vadd.s32 v1, v3  }
0x96: {  	[tilespmem:s23], [sflag:$0x6] =	stream.indirect_vreg.gather [hbm4b:s5+s3], $0x80, v4, vm0, $0xb8;
	[tilespmem:$0x18400] =	vst v63  }
0x97: {  	s25 =	simm.s32 $0x10400  }
0x98: {  	[tilespmem:s25], [sflag:$0x6] =	stream.indirect_vreg.gather [hbm4b:s6+s3], $0x80, v4, vm0, $0xb8;
	[tilespmem:$0x18400] =	vst v63  }
0x99: {  	s26 =	simm.s32 $0x10C00  }
0x9a: {  	[tilespmem:s26], [sflag:$0x6] =	stream.indirect_vreg.gather [hbm4b:s1+s3], $0x80, v3, vm0, $0xb8;
	[tilespmem:$0x18400] =	vst v63  }
0x9b: {  	s7 =	simm.s32 $0x11400  }
0x9c: {  	[tilespmem:s7], [sflag:$0x6] =	stream.indirect_vreg.gather [hbm4b:s5+s3], $0x80, v3, vm0, $0xb8;
	[tilespmem:$0x18400] =	vst v63  }
0x9d: {  	s22 =	simm.s32 $0x11C00  }
0x9e: {  	[tilespmem:s22], [sflag:$0x6] =	stream.indirect_vreg.gather [hbm4b:s6+s3], $0x80, v3, vm0, $0xb8;
	[tilespmem:$0x18400] =	vst v63  }
0x9f: {  	_ =	swait.ge [sflag:s14], $0x3000  }
0xa0: {  	[sflag:s14] =	ssyncset.done $0x0  }
0xa1: {  	s23 =	rddreg [dreg:$0xa];
	[sflag:s14] =	ssyncadd.s32 $0xFFFFD000  }
0xa2: {  	[hbm4b:s23+s3] =	stream.linear.scatter [tilespmem:s15], [sflag:$0xB], $0x3000, $0x38;
	[tilespmem:$0x18400] =	vst v63  }
0xa3: {  	v3 =	vld [tilespmem:$0x60];
	_ =	sdelay $0x4  }
0xa4: {  	v62 =	vshrl.u32 v3, $0x3  }
0xa5: {  	v4 =	vmul.u32 $0x30, v62  }
0xa6: {  	v3 =	vand.u32 $0x7, v3  }
0xa7: {  	v3 =	vor.u32 v3, v4  }
0xa8: {  	v4 =	vperm.xlane v3, v0;
	_ =	sdelay $0x1  }
0xa9: {  	v4 =	vadd.s32 v1, v4;
	_ =	sdelay $0x3  }
0xaa: {  	v3 =	vperm.xlane v3, v2  }
0xab: {  	[tilespmem:s18], [sflag:$0x7] =	stream.indirect_vreg.gather [hbm4b:s1+s3], $0x80, v4, vm0, $0xb8;
	[tilespmem:$0x18400] =	vst v63  }
0xac: {  	s25 =	simm.s32 $0x12C00;
	v3 =	vadd.s32 v1, v3  }
0xad: {  	[tilespmem:s25], [sflag:$0x7] =	stream.indirect_vreg.gather [hbm4b:s5+s3], $0x80, v4, vm0, $0xb8;
	[tilespmem:$0x18400] =	vst v63  }
0xae: {  	s26 =	simm.s32 $0x13400  }
0xaf: {  	[tilespmem:s26], [sflag:$0x7] =	stream.indirect_vreg.gather [hbm4b:s6+s3], $0x80, v4, vm0, $0xb8;
	[tilespmem:$0x18400] =	vst v63  }
0xb0: {  	s7 =	simm.s32 $0x13C00  }
0xb1: {  	[tilespmem:s7], [sflag:$0x7] =	stream.indirect_vreg.gather [hbm4b:s1+s3], $0x80, v3, vm0, $0xb8;
	[tilespmem:$0x18400] =	vst v63  }
0xb2: {  	s14 =	simm.s32 $0x14400  }
0xb3: {  	[tilespmem:s14], [sflag:$0x7] =	stream.indirect_vreg.gather [hbm4b:s5+s3], $0x80, v3, vm0, $0xb8;
	[tilespmem:$0x18400] =	vst v63  }
0xb4: {  	s15 =	simm.s32 $0x14C00  }
0xb5: {  	[tilespmem:s15], [sflag:$0x7] =	stream.indirect_vreg.gather [hbm4b:s6+s3], $0x80, v3, vm0, $0xb8;
	[tilespmem:$0x18400] =	vst v63  }
0xb6: {  	_ =	swait.ge [sflag:s24], $0x3000  }
0xb7: {  	[sflag:s24] =	ssyncset.done $0x0  }
0xb8: {  	s18 =	rddreg [dreg:$0xb];
	[sflag:s24] =	ssyncadd.s32 $0xFFFFD000  }
0xb9: {  	[hbm4b:s18+s3] =	stream.linear.scatter [tilespmem:s16], [sflag:$0xC], $0x3000, $0x38;
	[tilespmem:$0x18400] =	vst v63  }
0xba: {  	v3 =	vld [tilespmem:$0x70];
	_ =	sdelay $0x4  }
0xbb: {  	v63 =	vshrl.u32 v3, $0x3  }
0xbc: {  	v4 =	vmul.u32 $0x30, v63  }
0xbd: {  	v3 =	vand.u32 $0x7, v3  }
0xbe: {  	v3 =	vor.u32 v3, v4  }
0xbf: {  	v4 =	vperm.xlane v3, v0;
	_ =	sdelay $0x1  }
0xc0: {  	v4 =	vadd.s32 v1, v4;
	_ =	sdelay $0x3  }
0xc1: {  	v3 =	vperm.xlane v3, v2  }
0xc2: {  	[tilespmem:s9], [sflag:$0x8] =	stream.indirect_vreg.gather [hbm4b:s1+s3], $0x80, v4, vm0, $0xb8;
	[tilespmem:$0x18400] =	vst v63  }
0xc3: {  	s22 =	simm.s32 $0x15C00;
	v3 =	vadd.s32 v1, v3  }
0xc4: {  	[tilespmem:s22], [sflag:$0x8] =	stream.indirect_vreg.gather [hbm4b:s5+s3], $0x80, v4, vm0, $0xb8;
	[tilespmem:$0x18400] =	vst v63  }
0xc5: {  	s23 =	simm.s32 $0x16400  }
0xc6: {  	[tilespmem:s23], [sflag:$0x8] =	stream.indirect_vreg.gather [hbm4b:s6+s3], $0x80, v4, vm0, $0xb8;
	[tilespmem:$0x18400] =	vst v63  }
0xc7: {  	s24 =	simm.s32 $0x16C00  }
0xc8: {  	[tilespmem:s24], [sflag:$0x8] =	stream.indirect_vreg.gather [hbm4b:s1+s3], $0x80, v3, vm0, $0xb8;
	[tilespmem:$0x18400] =	vst v63  }
0xc9: {  	s30 =	simm.s32 $0x400;
	s25 =	simm.s32 $0x17400  }
0xca: {  	[tilespmem:s25], [sflag:$0x8] =	stream.indirect_vreg.gather [hbm4b:s5+s3], $0x80, v3, vm0, $0xb8;
	[tilespmem:$0x18400] =	vst v63  }
0xcb: {  	s0 =	simm.s32 $0x2;
	s26 =	simm.s32 $0x17C00;
	s14 =	simm.s32 $0x3  }
0xcc: {  	[tilespmem:s26], [sflag:$0x8] =	stream.indirect_vreg.gather [hbm4b:s6+s3], $0x80, v3, vm0, $0xb8;
	[tilespmem:$0x18400] =	vst v63  }
0xcd: {  	s16 =	simm.s32 $0x3400;
	s22 =	simm.s32 $0xF0;
	s26 =	simm.s32 $0x0  }
.LBB2_2:
0xce: {  	_ =	swait.ge [sflag:s28], $0x3000  }
0xcf: {  	s7 =	sadd.s32 s26, s17;
	[sflag:s28] =	ssyncset.done $0x0  }
0xd0: {  	s25 =	simm.s32 $0xC400;
	s9 =	sadd.s32 $0x1800, s7;
	[sflag:s28] =	ssyncadd.s32 $0xFFFFD000  }
0xd1: {  	[hbm4b:s9+s3] =	stream.linear.scatter [tilespmem:s25], [sflag:$0xD], $0x3000, $0x38;
	[tilespmem:$0x18400] =	vst v63  }
0xd2: {  	_ =	swait.ge [sflag:s29], $0x3000  }
0xd3: {  	[sflag:s29] =	ssyncset.done $0x0  }
0xd4: {  	[sflag:s29] =	ssyncadd.s32 $0xFFFFD000  }
0xd5: {  	v3 =	vld [tilespmem:s22+$0xFFFFFF90];
	_ =	sdelay $0x4  }
0xd6: {  	v4 =	vshrl.u32 v3, $0x3  }
0xd7: {  	v4 =	vmul.u32 $0x30, v4  }
0xd8: {  	v3 =	vand.u32 $0x7, v3  }
0xd9: {  	v3 =	vor.u32 v3, v4  }
0xda: {  	v4 =	vperm.xlane v3, v0;
	_ =	sdelay $0x1  }
0xdb: {  	v4 =	vadd.s32 v1, v4;
	_ =	sdelay $0x3  }
0xdc: {  	v3 =	vperm.xlane v3, v2  }
0xdd: {  	[tilespmem:s30], [sflag:$0x1] =	stream.indirect_vreg.gather [hbm4b:s1+s3], $0x80, v4, vm0, $0xb8;
	[tilespmem:$0x18400] =	vst v63  }
0xde: {  	s9 =	simm.s32 $0xC00;
	v3 =	vadd.s32 v1, v3  }
0xdf: {  	[tilespmem:s9], [sflag:$0x1] =	stream.indirect_vreg.gather [hbm4b:s5+s3], $0x80, v4, vm0, $0xb8;
	[tilespmem:$0x18400] =	vst v63  }
0xe0: {  	s15 =	simm.s32 $0x1400  }
0xe1: {  	[tilespmem:s15], [sflag:$0x1] =	stream.indirect_vreg.gather [hbm4b:s6+s3], $0x80, v4, vm0, $0xb8;
	[tilespmem:$0x18400] =	vst v63  }
0xe2: {  	s23 =	smov.u32 s17;
	s17 =	simm.s32 $0x1C00  }
0xe3: {  	[tilespmem:s17], [sflag:$0x1] =	stream.indirect_vreg.gather [hbm4b:s1+s3], $0x80, v3, vm0, $0xb8;
	[tilespmem:$0x18400] =	vst v63  }
0xe4: {  	s18 =	simm.s32 $0x2400  }
0xe5: {  	[tilespmem:s18], [sflag:$0x1] =	stream.indirect_vreg.gather [hbm4b:s5+s3], $0x80, v3, vm0, $0xb8;
	[tilespmem:$0x18400] =	vst v63  }
0xe6: {  	s24 =	simm.s32 $0x2C00  }
0xe7: {  	[tilespmem:s24], [sflag:$0x1] =	stream.indirect_vreg.gather [hbm4b:s6+s3], $0x80, v3, vm0, $0xb8;
	[tilespmem:$0x18400] =	vst v63  }
0xe8: {  	_ =	swait.ge [sflag:s31], $0x3000  }
0xe9: {  	[sflag:s31] =	ssyncset.done $0x0  }
0xea: {  	s15 =	sadd.s32 $0x1E00, s7;
	s18 =	simm.s32 $0xF400;
	[sflag:s31] =	ssyncadd.s32 $0xFFFFD000  }
0xeb: {  	[hbm4b:s15+s3] =	stream.linear.scatter [tilespmem:s18], [sflag:$0xE], $0x3000, $0x38;
	[tilespmem:$0x18400] =	vst v63  }
0xec: {  	_ =	swait.ge [sflag:s2], $0x3000  }
0xed: {  	[sflag:s2] =	ssyncset.done $0x0  }
0xee: {  	[sflag:s2] =	ssyncadd.s32 $0xFFFFD000  }
0xef: {  	v3 =	vld [tilespmem:s22+$0xFFFFFFA0];
	_ =	sdelay $0x4  }
0xf0: {  	v57 =	vshrl.u32 v3, $0x3  }
0xf1: {  	v4 =	vmul.u32 $0x30, v57  }
0xf2: {  	v3 =	vand.u32 $0x7, v3  }
0xf3: {  	v3 =	vor.u32 v3, v4  }
0xf4: {  	v4 =	vperm.xlane v3, v0;
	_ =	sdelay $0x1  }
0xf5: {  	v4 =	vadd.s32 v1, v4;
	_ =	sdelay $0x3  }
0xf6: {  	v3 =	vperm.xlane v3, v2  }
0xf7: {  	[tilespmem:s16], [sflag:$0x2] =	stream.indirect_vreg.gather [hbm4b:s1+s3], $0x80, v4, vm0, $0xb8;
	[tilespmem:$0x18400] =	vst v63  }
0xf8: {  	s17 =	simm.s32 $0x3C00;
	v3 =	vadd.s32 v1, v3  }
0xf9: {  	[tilespmem:s17], [sflag:$0x2] =	stream.indirect_vreg.gather [hbm4b:s5+s3], $0x80, v4, vm0, $0xb8;
	[tilespmem:$0x18400] =	vst v63  }
0xfa: {  	s24 =	simm.s32 $0x4400  }
0xfb: {  	[tilespmem:s24], [sflag:$0x2] =	stream.indirect_vreg.gather [hbm4b:s6+s3], $0x80, v4, vm0, $0xb8;
	[tilespmem:$0x18400] =	vst v63  }
0xfc: {  	s15 =	simm.s32 $0x4C00  }
0xfd: {  	[tilespmem:s15], [sflag:$0x2] =	stream.indirect_vreg.gather [hbm4b:s1+s3], $0x80, v3, vm0, $0xb8;
	[tilespmem:$0x18400] =	vst v63  }
0xfe: {  	s17 =	simm.s32 $0x5400  }
0xff: {  	[tilespmem:s17], [sflag:$0x2] =	stream.indirect_vreg.gather [hbm4b:s5+s3], $0x80, v3, vm0, $0xb8;
	[tilespmem:$0x18400] =	vst v63  }
0x100: {  	s24 =	simm.s32 $0x5C00  }
0x101: {  	[tilespmem:s24], [sflag:$0x2] =	stream.indirect_vreg.gather [hbm4b:s6+s3], $0x80, v3, vm0, $0xb8;
	[tilespmem:$0x18400] =	vst v63  }
0x102: {  	_ =	swait.ge [sflag:s8], $0x3000  }
0x103: {  	[sflag:s8] =	ssyncset.done $0x0  }
0x104: {  	s9 =	simm.s32 $0x12400;
	s15 =	sadd.s32 $0x2400, s7;
	[sflag:s8] =	ssyncadd.s32 $0xFFFFD000  }
0x105: {  	[hbm4b:s15+s3] =	stream.linear.scatter [tilespmem:s9], [sflag:$0xF], $0x3000, $0x38;
	[tilespmem:$0x18400] =	vst v63  }
0x106: {  	_ =	swait.ge [sflag:s10], $0x3000  }
0x107: {  	[sflag:s10] =	ssyncset.done $0x0  }
0x108: {  	[sflag:s10] =	ssyncadd.s32 $0xFFFFD000  }
0x109: {  	v3 =	vld [tilespmem:s22+$0xFFFFFFB0];
	_ =	sdelay $0x4  }
0x10a: {  	v58 =	vshrl.u32 v3, $0x3  }
0x10b: {  	v4 =	vmul.u32 $0x30, v58  }
0x10c: {  	v3 =	vand.u32 $0x7, v3  }
0x10d: {  	v3 =	vor.u32 v3, v4  }
0x10e: {  	v4 =	vperm.xlane v3, v0;
	_ =	sdelay $0x1  }
0x10f: {  	v4 =	vadd.s32 v1, v4;
	_ =	sdelay $0x3  }
0x110: {  	s24 =	simm.s32 $0x6400;
	v3 =	vperm.xlane v3, v2  }
0x111: {  	[tilespmem:s24], [sflag:$0x3] =	stream.indirect_vreg.gather [hbm4b:s1+s3], $0x80, v4, vm0, $0xb8;
	[tilespmem:$0x18400] =	vst v63  }
0x112: {  	s15 =	simm.s32 $0x6C00;
	v3 =	vadd.s32 v1, v3  }
0x113: {  	[tilespmem:s15], [sflag:$0x3] =	stream.indirect_vreg.gather [hbm4b:s5+s3], $0x80, v4, vm0, $0xb8;
	[tilespmem:$0x18400] =	vst v63  }
0x114: {  	s17 =	smov.u32 s23;
	s23 =	simm.s32 $0x7400  }
0x115: {  	[tilespmem:s23], [sflag:$0x3] =	stream.indirect_vreg.gather [hbm4b:s6+s3], $0x80, v4, vm0, $0xb8;
	[tilespmem:$0x18400] =	vst v63  }
0x116: {  	s23 =	simm.s32 $0x7C00  }
0x117: {  	[tilespmem:s23], [sflag:$0x3] =	stream.indirect_vreg.gather [hbm4b:s1+s3], $0x80, v3, vm0, $0xb8;
	[tilespmem:$0x18400] =	vst v63  }
0x118: {  	s23 =	simm.s32 $0x8400  }
0x119: {  	[tilespmem:s23], [sflag:$0x3] =	stream.indirect_vreg.gather [hbm4b:s5+s3], $0x80, v3, vm0, $0xb8;
	[tilespmem:$0x18400] =	vst v63  }
0x11a: {  	s23 =	simm.s32 $0x8C00  }
0x11b: {  	[tilespmem:s23], [sflag:$0x3] =	stream.indirect_vreg.gather [hbm4b:s6+s3], $0x80, v3, vm0, $0xb8;
	[tilespmem:$0x18400] =	vst v63  }
0x11c: {  	_ =	swait.ge [sflag:s11], $0x3000  }
0x11d: {  	[sflag:s11] =	ssyncset.done $0x0  }
0x11e: {  	s7 =	sadd.s32 $0x2A00, s7;
	s15 =	simm.s32 $0x15400;
	[sflag:s11] =	ssyncadd.s32 $0xFFFFD000  }
0x11f: {  	[hbm4b:s7+s3] =	stream.linear.scatter [tilespmem:s15], [sflag:$0x10], $0x3000, $0x38;
	[tilespmem:$0x18400] =	vst v63  }
0x120: {  	_ =	swait.ge [sflag:s12], $0x3000  }
0x121: {  	[sflag:s12] =	ssyncset.done $0x0  }
0x122: {  	[sflag:s12] =	ssyncadd.s32 $0xFFFFD000  }
0x123: {  	v3 =	vld [tilespmem:s22+$0xFFFFFFC0];
	_ =	sdelay $0x4  }
0x124: {  	v59 =	vshrl.u32 v3, $0x3  }
0x125: {  	v4 =	vmul.u32 $0x30, v59  }
0x126: {  	v3 =	vand.u32 $0x7, v3  }
0x127: {  	v3 =	vor.u32 v3, v4  }
0x128: {  	v4 =	vperm.xlane v3, v0;
	_ =	sdelay $0x1  }
0x129: {  	v4 =	vadd.s32 v1, v4;
	_ =	sdelay $0x3  }
0x12a: {  	s28 =	simm.s32 $0x9400;
	v3 =	vperm.xlane v3, v2  }
0x12b: {  	[tilespmem:s28], [sflag:$0x4] =	stream.indirect_vreg.gather [hbm4b:s1+s3], $0x80, v4, vm0, $0xb8;
	[tilespmem:$0x18400] =	vst v63  }
0x12c: {  	s23 =	simm.s32 $0x9C00;
	v3 =	vadd.s32 v1, v3  }
0x12d: {  	[tilespmem:s23], [sflag:$0x4] =	stream.indirect_vreg.gather [hbm4b:s5+s3], $0x80, v4, vm0, $0xb8;
	[tilespmem:$0x18400] =	vst v63  }
0x12e: {  	s23 =	simm.s32 $0xA400  }
0x12f: {  	[tilespmem:s23], [sflag:$0x4] =	stream.indirect_vreg.gather [hbm4b:s6+s3], $0x80, v4, vm0, $0xb8;
	[tilespmem:$0x18400] =	vst v63  }
0x130: {  	s23 =	simm.s32 $0xAC00  }
0x131: {  	[tilespmem:s23], [sflag:$0x4] =	stream.indirect_vreg.gather [hbm4b:s1+s3], $0x80, v3, vm0, $0xb8;
	[tilespmem:$0x18400] =	vst v63  }
0x132: {  	s23 =	simm.s32 $0xB400  }
0x133: {  	[tilespmem:s23], [sflag:$0x4] =	stream.indirect_vreg.gather [hbm4b:s5+s3], $0x80, v3, vm0, $0xb8;
	[tilespmem:$0x18400] =	vst v63  }
0x134: {  	s23 =	simm.s32 $0xBC00  }
0x135: {  	[tilespmem:s23], [sflag:$0x4] =	stream.indirect_vreg.gather [hbm4b:s6+s3], $0x80, v3, vm0, $0xb8;
	[tilespmem:$0x18400] =	vst v63  }
0x136: {  	_ =	swait.ge [sflag:s4], $0x3000  }
0x137: {  	s23 =	rddreg [dreg:$0x4];
	[sflag:s4] =	ssyncset.done $0x0  }
0x138: {  	[sflag:s4] =	ssyncadd.s32 $0xFFFFD000;
	s7 =	sadd.s32 s26, s23  }
0x139: {  	[hbm4b:s7+s3] =	stream.linear.scatter [tilespmem:s30], [sflag:$0x9], $0x3000, $0x38;
	[tilespmem:$0x18400] =	vst v63  }
0x13a: {  	_ =	swait.ge [sflag:s13], $0x3000  }
0x13b: {  	[sflag:s13] =	ssyncset.done $0x0  }
0x13c: {  	[sflag:s13] =	ssyncadd.s32 $0xFFFFD000  }
0x13d: {  	v3 =	vld [tilespmem:s22+$0xFFFFFFD0];
	_ =	sdelay $0x4  }
0x13e: {  	v60 =	vshrl.u32 v3, $0x3  }
0x13f: {  	v4 =	vmul.u32 $0x30, v60  }
0x140: {  	v3 =	vand.u32 $0x7, v3  }
0x141: {  	v3 =	vor.u32 v3, v4  }
0x142: {  	v4 =	vperm.xlane v3, v0;
	_ =	sdelay $0x1  }
0x143: {  	v4 =	vadd.s32 v1, v4;
	_ =	sdelay $0x3  }
0x144: {  	v3 =	vperm.xlane v3, v2  }
0x145: {  	[tilespmem:s25], [sflag:$0x5] =	stream.indirect_vreg.gather [hbm4b:s1+s3], $0x80, v4, vm0, $0xb8;
	[tilespmem:$0x18400] =	vst v63  }
0x146: {  	v3 =	vadd.s32 v1, v3;
	s25 =	simm.s32 $0xCC00  }
0x147: {  	[tilespmem:s25], [sflag:$0x5] =	stream.indirect_vreg.gather [hbm4b:s5+s3], $0x80, v4, vm0, $0xb8;
	[tilespmem:$0x18400] =	vst v63  }
0x148: {  	s25 =	simm.s32 $0xD400  }
0x149: {  	[tilespmem:s25], [sflag:$0x5] =	stream.indirect_vreg.gather [hbm4b:s6+s3], $0x80, v4, vm0, $0xb8;
	[tilespmem:$0x18400] =	vst v63  }
0x14a: {  	s25 =	simm.s32 $0xDC00  }
0x14b: {  	[tilespmem:s25], [sflag:$0x5] =	stream.indirect_vreg.gather [hbm4b:s1+s3], $0x80, v3, vm0, $0xb8;
	[tilespmem:$0x18400] =	vst v63  }
0x14c: {  	s25 =	simm.s32 $0xE400  }
0x14d: {  	[tilespmem:s25], [sflag:$0x5] =	stream.indirect_vreg.gather [hbm4b:s5+s3], $0x80, v3, vm0, $0xb8;
	[tilespmem:$0x18400] =	vst v63  }
0x14e: {  	s25 =	simm.s32 $0xEC00  }
0x14f: {  	[tilespmem:s25], [sflag:$0x5] =	stream.indirect_vreg.gather [hbm4b:s6+s3], $0x80, v3, vm0, $0xb8;
	[tilespmem:$0x18400] =	vst v63  }
0x150: {  	_ =	swait.ge [sflag:s0], $0x3000  }
0x151: {  	s25 =	rddreg [dreg:$0x5];
	[sflag:s0] =	ssyncset.done $0x0  }
0x152: {  	[sflag:s0] =	ssyncadd.s32 $0xFFFFD000;
	s7 =	sadd.s32 s26, s25  }
0x153: {  	[hbm4b:s7+s3] =	stream.linear.scatter [tilespmem:s16], [sflag:$0xA], $0x3000, $0x38;
	[tilespmem:$0x18400] =	vst v63  }
0x154: {  	_ =	swait.ge [sflag:s19], $0x3000  }
0x155: {  	[sflag:s19] =	ssyncset.done $0x0  }
0x156: {  	[sflag:s19] =	ssyncadd.s32 $0xFFFFD000  }
0x157: {  	v3 =	vld [tilespmem:s22+$0xFFFFFFE0];
	_ =	sdelay $0x4  }
0x158: {  	v61 =	vshrl.u32 v3, $0x3  }
0x159: {  	v4 =	vmul.u32 $0x30, v61  }
0x15a: {  	v3 =	vand.u32 $0x7, v3  }
0x15b: {  	v3 =	vor.u32 v3, v4  }
0x15c: {  	v4 =	vperm.xlane v3, v0;
	_ =	sdelay $0x1  }
0x15d: {  	v4 =	vadd.s32 v1, v4;
	_ =	sdelay $0x3  }
0x15e: {  	v3 =	vperm.xlane v3, v2  }
0x15f: {  	[tilespmem:s18], [sflag:$0x6] =	stream.indirect_vreg.gather [hbm4b:s1+s3], $0x80, v4, vm0, $0xb8;
	[tilespmem:$0x18400] =	vst v63  }
0x160: {  	v3 =	vadd.s32 v1, v3;
	s18 =	simm.s32 $0xFC00  }
0x161: {  	[tilespmem:s18], [sflag:$0x6] =	stream.indirect_vreg.gather [hbm4b:s5+s3], $0x80, v4, vm0, $0xb8;
	[tilespmem:$0x18400] =	vst v63  }
0x162: {  	s18 =	simm.s32 $0x10400  }
0x163: {  	[tilespmem:s18], [sflag:$0x6] =	stream.indirect_vreg.gather [hbm4b:s6+s3], $0x80, v4, vm0, $0xb8;
	[tilespmem:$0x18400] =	vst v63  }
0x164: {  	s18 =	simm.s32 $0x10C00  }
0x165: {  	[tilespmem:s18], [sflag:$0x6] =	stream.indirect_vreg.gather [hbm4b:s1+s3], $0x80, v3, vm0, $0xb8;
	[tilespmem:$0x18400] =	vst v63  }
0x166: {  	s18 =	simm.s32 $0x11400  }
0x167: {  	[tilespmem:s18], [sflag:$0x6] =	stream.indirect_vreg.gather [hbm4b:s5+s3], $0x80, v3, vm0, $0xb8;
	[tilespmem:$0x18400] =	vst v63  }
0x168: {  	s18 =	simm.s32 $0x11C00  }
0x169: {  	[tilespmem:s18], [sflag:$0x6] =	stream.indirect_vreg.gather [hbm4b:s6+s3], $0x80, v3, vm0, $0xb8;
	[tilespmem:$0x18400] =	vst v63  }
0x16a: {  	_ =	swait.ge [sflag:s14], $0x3000  }
0x16b: {  	s18 =	rddreg [dreg:$0x6];
	[sflag:s14] =	ssyncset.done $0x0  }
0x16c: {  	[sflag:s14] =	ssyncadd.s32 $0xFFFFD000;
	s7 =	sadd.s32 s26, s18  }
0x16d: {  	[hbm4b:s7+s3] =	stream.linear.scatter [tilespmem:s24], [sflag:$0xB], $0x3000, $0x38;
	[tilespmem:$0x18400] =	vst v63  }
0x16e: {  	_ =	swait.ge [sflag:s20], $0x3000  }
0x16f: {  	[sflag:s20] =	ssyncset.done $0x0  }
0x170: {  	[sflag:s20] =	ssyncadd.s32 $0xFFFFD000  }
0x171: {  	v3 =	vld [tilespmem:s22+$0xFFFFFFF0];
	_ =	sdelay $0x4  }
0x172: {  	v62 =	vshrl.u32 v3, $0x3  }
0x173: {  	v4 =	vmul.u32 $0x30, v62  }
0x174: {  	v3 =	vand.u32 $0x7, v3  }
0x175: {  	v3 =	vor.u32 v3, v4  }
0x176: {  	v4 =	vperm.xlane v3, v0;
	_ =	sdelay $0x1  }
0x177: {  	v4 =	vadd.s32 v1, v4;
	_ =	sdelay $0x3  }
0x178: {  	v3 =	vperm.xlane v3, v2  }
0x179: {  	[tilespmem:s9], [sflag:$0x7] =	stream.indirect_vreg.gather [hbm4b:s1+s3], $0x80, v4, vm0, $0xb8;
	[tilespmem:$0x18400] =	vst v63  }
0x17a: {  	v3 =	vadd.s32 v1, v3;
	s9 =	simm.s32 $0x12C00  }
0x17b: {  	[tilespmem:s9], [sflag:$0x7] =	stream.indirect_vreg.gather [hbm4b:s5+s3], $0x80, v4, vm0, $0xb8;
	[tilespmem:$0x18400] =	vst v63  }
0x17c: {  	s9 =	simm.s32 $0x13400  }
0x17d: {  	[tilespmem:s9], [sflag:$0x7] =	stream.indirect_vreg.gather [hbm4b:s6+s3], $0x80, v4, vm0, $0xb8;
	[tilespmem:$0x18400] =	vst v63  }
0x17e: {  	s9 =	simm.s32 $0x13C00  }
0x17f: {  	[tilespmem:s9], [sflag:$0x7] =	stream.indirect_vreg.gather [hbm4b:s1+s3], $0x80, v3, vm0, $0xb8;
	[tilespmem:$0x18400] =	vst v63  }
0x180: {  	s9 =	simm.s32 $0x14400  }
0x181: {  	[tilespmem:s9], [sflag:$0x7] =	stream.indirect_vreg.gather [hbm4b:s5+s3], $0x80, v3, vm0, $0xb8;
	[tilespmem:$0x18400] =	vst v63  }
0x182: {  	s24 =	simm.s32 $0x4;
	s9 =	simm.s32 $0x14C00  }
0x183: {  	[tilespmem:s9], [sflag:$0x7] =	stream.indirect_vreg.gather [hbm4b:s6+s3], $0x80, v3, vm0, $0xb8;
	[tilespmem:$0x18400] =	vst v63  }
0x184: {  	_ =	swait.ge [sflag:s24], $0x3000  }
0x185: {  	s9 =	rddreg [dreg:$0x7];
	[sflag:s24] =	ssyncset.done $0x0  }
0x186: {  	[sflag:s24] =	ssyncadd.s32 $0xFFFFD000;
	s7 =	sadd.s32 s26, s9  }
0x187: {  	[hbm4b:s7+s3] =	stream.linear.scatter [tilespmem:s28], [sflag:$0xC], $0x3000, $0x38;
	[tilespmem:$0x18400] =	vst v63  }
0x188: {  	_ =	swait.ge [sflag:s21], $0x3000  }
0x189: {  	[sflag:s21] =	ssyncset.done $0x0  }
0x18a: {  	[sflag:s21] =	ssyncadd.s32 $0xFFFFD000  }
0x18b: {  	v3 =	vld [tilespmem:s22+$0x0];
	_ =	sdelay $0x4  }
0x18c: {  	v63 =	vshrl.u32 v3, $0x3  }
0x18d: {  	v4 =	vmul.u32 $0x30, v63  }
0x18e: {  	v3 =	vand.u32 $0x7, v3  }
0x18f: {  	v3 =	vor.u32 v3, v4  }
0x190: {  	v4 =	vperm.xlane v3, v0;
	_ =	sdelay $0x1  }
0x191: {  	v4 =	vadd.s32 v1, v4;
	_ =	sdelay $0x3  }
0x192: {  	v3 =	vperm.xlane v3, v2  }
0x193: {  	[tilespmem:s15], [sflag:$0x8] =	stream.indirect_vreg.gather [hbm4b:s1+s3], $0x80, v4, vm0, $0xb8;
	[tilespmem:$0x18400] =	vst v63  }
0x194: {  	v3 =	vadd.s32 v1, v3;
	s15 =	simm.s32 $0x15C00  }
0x195: {  	[tilespmem:s15], [sflag:$0x8] =	stream.indirect_vreg.gather [hbm4b:s5+s3], $0x80, v4, vm0, $0xb8;
	[tilespmem:$0x18400] =	vst v63  }
0x196: {  	s15 =	simm.s32 $0x16400  }
0x197: {  	[tilespmem:s15], [sflag:$0x8] =	stream.indirect_vreg.gather [hbm4b:s6+s3], $0x80, v4, vm0, $0xb8;
	[tilespmem:$0x18400] =	vst v63  }
0x198: {  	p0 =	sne.s32 s26, $0x12000;
	s23 =	simm.s32 $0xC400;
	s15 =	simm.s32 $0x16C00  }
0x199: {  	[tilespmem:s15], [sflag:$0x8] =	stream.indirect_vreg.gather [hbm4b:s1+s3], $0x80, v3, vm0, $0xb8;
	[tilespmem:$0x18400] =	vst v63  }
.Ltmp0:
0x19a: {  	s25 =	simm.s32 $0xF400;
	s18 =	simm.s32 $0x12400;
	(pc) =	sbr.rel @p0 .LBB2_2-.Ltmp0, $4  }
0x19b: {  	s9 =	simm.s32 $0x15400;
	s26 =	sadd.s32 $0x3000, s26;
	s15 =	simm.s32 $0x17400  }
0x19c: {  	[tilespmem:s15], [sflag:$0x8] =	stream.indirect_vreg.gather [hbm4b:s5+s3], $0x80, v3, vm0, $0xb8;
	[tilespmem:$0x18400] =	vst v63  }
0x19d: {  	s28 =	simm.s32 $0x5;
	s22 =	sadd.s32 $0x80, s22;
	s15 =	simm.s32 $0x17C00  }
0x19e: {  	[tilespmem:s15], [sflag:$0x8] =	stream.indirect_vreg.gather [hbm4b:s6+s3], $0x80, v3, vm0, $0xb8;
	[tilespmem:$0x18400] =	vst v63  }
0x19f: {  	_ =	swait.ge [sflag:s28], $0x3000  }
0x1a0: {  	[sflag:s28] =	ssyncset.done $0x0  }
0x1a1: {  	s7 =	rddreg [dreg:$0xc];
	[sflag:s28] =	ssyncadd.s32 $0xFFFFD000  }
0x1a2: {  	[hbm4b:s7+s3] =	stream.linear.scatter [tilespmem:s23], [sflag:$0xD], $0x3000, $0x38;
	[tilespmem:$0x18400] =	vst v63  }
0x1a3: {  	_ =	swait.ge [sflag:s31], $0x3000  }
0x1a4: {  	[sflag:s31] =	ssyncset.done $0x0  }
0x1a5: {  	s15 =	rddreg [dreg:$0xd];
	[sflag:s31] =	ssyncadd.s32 $0xFFFFD000  }
0x1a6: {  	[hbm4b:s15+s3] =	stream.linear.scatter [tilespmem:s25], [sflag:$0xE], $0x3000, $0x38;
	[tilespmem:$0x18400] =	vst v63  }
0x1a7: {  	_ =	swait.ge [sflag:s8], $0x3000  }
0x1a8: {  	[sflag:s8] =	ssyncset.done $0x0  }
0x1a9: {  	s16 =	rddreg [dreg:$0xe];
	[sflag:s8] =	ssyncadd.s32 $0xFFFFD000  }
0x1aa: {  	[hbm4b:s16+s3] =	stream.linear.scatter [tilespmem:s18], [sflag:$0xF], $0x3000, $0x38;
	[tilespmem:$0x18400] =	vst v63  }
0x1ab: {  	_ =	swait.ge [sflag:s11], $0x3000  }
0x1ac: {  	[sflag:s11] =	ssyncset.done $0x0  }
0x1ad: {  	s22 =	rddreg [dreg:$0xf];
	[sflag:s11] =	ssyncadd.s32 $0xFFFFD000  }
0x1ae: {  	[hbm4b:s22+s3] =	stream.linear.scatter [tilespmem:s9], [sflag:$0x10], $0x3000, $0x38;
	[tilespmem:$0x18400] =	vst v63  }
0x1af: {  	_ =	swait.ge [sflag:s29], $0x3000  }
0x1b0: {  	[sflag:s29] =	ssyncset.done $0x0  }
0x1b1: {  	[sflag:s29] =	ssyncadd.s32 $0xFFFFD000  }
0x1b2: {  	_ =	swait.ge [sflag:s2], $0x3000  }
0x1b3: {  	[sflag:s2] =	ssyncset.done $0x0  }
0x1b4: {  	[sflag:s2] =	ssyncadd.s32 $0xFFFFD000  }
0x1b5: {  	_ =	swait.ge [sflag:s10], $0x3000  }
0x1b6: {  	[sflag:s10] =	ssyncset.done $0x0  }
0x1b7: {  	[sflag:s10] =	ssyncadd.s32 $0xFFFFD000  }
0x1b8: {  	_ =	swait.ge [sflag:s12], $0x3000  }
0x1b9: {  	[sflag:s12] =	ssyncset.done $0x0  }
0x1ba: {  	[sflag:s12] =	ssyncadd.s32 $0xFFFFD000  }
0x1bb: {  	_ =	swait.ge [sflag:s13], $0x3000  }
0x1bc: {  	[sflag:s13] =	ssyncset.done $0x0  }
0x1bd: {  	[sflag:s13] =	ssyncadd.s32 $0xFFFFD000  }
0x1be: {  	_ =	swait.ge [sflag:s19], $0x3000  }
0x1bf: {  	[sflag:s19] =	ssyncset.done $0x0  }
0x1c0: {  	[sflag:s19] =	ssyncadd.s32 $0xFFFFD000  }
0x1c1: {  	_ =	swait.ge [sflag:s20], $0x3000  }
0x1c2: {  	[sflag:s20] =	ssyncset.done $0x0  }
0x1c3: {  	[sflag:s20] =	ssyncadd.s32 $0xFFFFD000  }
0x1c4: {  	_ =	swait.ge [sflag:s21], $0x3000  }
0x1c5: {  	s4 =	rddreg [dreg:$0x11]  }
0x1c6: {  	s26 =	rddreg [dreg:$0x10];
	s4 =	sadd.s32 $0x1, s4  }
0x1c7: {  	p0 =	sne.s32 s4, s26  }
.Ltmp1:
0x1c8: {  	_ = 	snop;
	(pc) =	sbr.rel @p0 .LBB2_1-.Ltmp1, $4  }
0x1c9: {  	s30 =	simm.s32 $0x2400;
	s0 =	simm.s32 $0x2  }
0x1ca: {  	s14 =	simm.s32 $0x3;
	s15 =	simm.s32 $0xC00;
	[sflag:s21] =	ssyncset.done $0x0  }
0x1cb: {  	s16 =	simm.s32 $0x1400;
	s22 =	simm.s32 $0x400;
	[sflag:s21] =	ssyncadd.s32 $0xFFFFD000  }
0x1cc: {  	[dreg:$0x11] =	wrdreg s4;
	s4 =	simm.s32 $0x1C00;
	s26 =	simm.s32 $0x2C00  }
0x1cd: {  	_ =	sfence.sel $0x180000  }
0x1ce: {  	[bflag:$0x0] =	sbarrier.arrive $0xFFFF  }
0x1cf: {  	_ =	strace $0x90000047  }
0x1d0: {  	s0 =	stileid.u32;
	[bflag:$0x2] =	sbarrier.arrive $0xFFFF  }
0x1d1: {  	p0 =	sne.s32 s0, $0x0;
	s0 =	rddreg [dreg:$0x3]  }
0x1d2: {  	s0 =	sadd.s32 @!p0 $0x100000, s0  }
0x1d3: {  	[sflag:s0] =	ssyncadd.tile.s32 @!p0 $0x1;
	_ =	shalt  }
.Lfunc_end2:
_tile_overlayer_lowered:
.L_overlay_start_2:
0x1d4: {  	(tag) =	ssettag $0x2  }
0x1d5: {  	s0 =	rddreg [dreg:$0x0];
	s2 =	stileid.u32  }
0x1d6: {  	s1 =	rddreg [dreg:$0x1];
	p0 =	sne.s32 s2, $0x0  }
0x1d7: {  	s3 =	rddreg [dreg:$0x2];
	[bflag:$0x3] =	sbarrier.arrive $0xFFFF;
	s2 =	simm.s32 @!p0 $0x1C11  }
0x1d8: {  	[timem:s3], [sflag:s2] =	dma.local @!p0 [hbm:s0], s1  }
0x1d9: {  	s0 =	simm.s32 @!p0 $0x11  }
0x1da: {  	_ =	swait.ge @!p0 [sflag:s0], s1  }
0x1db: {  	s1 =	ssub.s32 @!p0 $0x0, s1;
	[sflag:s0] =	ssyncset.done @!p0 $0x0  }
0x1dc: {  	[sflag:s0] =	ssyncadd.s32 @!p0 s1  }
0x1dd: {  	[bflag:$0x3] =	sbarrier.arrive $0xFFFF  }
0x1de: {  	_ =	shalt  }

</sc_bundles>
